<compile_context>
chip_gen: v7x
topology: tpu7x:2x2x1
jax: 0.10.2.dev20260603
libtpu: 0.0.44.dev20260713+nightly
codegen_flags: <defaults>
</compile_context>

<pallas_src>
import functools

import jax
import jax.numpy as jnp
from jax import lax
from jax.experimental import pallas as pl
from jax.experimental.pallas import tpu as pltpu
from jax.experimental.pallas import tpu_sc as plsc

N, E, D, DE, H = 10000, 320000, 128, 32, 128

NC, NS = 2, 16
NW = NC * NS
EB = 128
BLOCKS_PER_TILE = -(-E // (NW * EB))
E_PER_TILE = BLOCKS_PER_TILE * EB
E_PAD = E_PER_TILE * NW
N_PAD = 10240
ROWS_PER_TILE = N_PAD // NS

_mesh = plsc.VectorSubcoreMesh(core_axis_name="c", subcore_axis_name="s")


def _pq_body(x_ref, wa_ref, wb_ref, p_ref, q_ref):
    xb = x_ref[...]
    p_ref[...] = jnp.dot(xb, wa_ref[...], preferred_element_type=jnp.float32)
    q_ref[...] = jnp.dot(xb, wb_ref[...], preferred_element_type=jnp.float32)


def _pq(x, wa, wb):
    bn = 2000
    grid = (N // bn,)
    return pl.pallas_call(
        _pq_body,
        grid=grid,
        in_specs=[
            pl.BlockSpec((bn, D), lambda i: (i, 0)),
            pl.BlockSpec((D, H), lambda i: (0, 0)),
            pl.BlockSpec((D, H), lambda i: (0, 0)),
        ],
        out_specs=[
            pl.BlockSpec((bn, H), lambda i: (i, 0)),
            pl.BlockSpec((bn, H), lambda i: (i, 0)),
        ],
        out_shape=[
            jax.ShapeDtypeStruct((N, H), jnp.float32),
            jax.ShapeDtypeStruct((N, H), jnp.float32),
        ],
    )(x, wa, wb)


@functools.partial(
    pl.kernel,
    mesh=_mesh,
    out_type=jax.ShapeDtypeStruct((E_PAD, H), jnp.float32),
    scratch_types=[
        pltpu.VMEM((E_PER_TILE,), jnp.int32),
        pltpu.VMEM((E_PER_TILE,), jnp.int32),
        pltpu.VMEM((EB,), jnp.int32),
        pltpu.VMEM((EB,), jnp.int32),
        pltpu.VMEM((2 * EB, H), jnp.float32),
        pltpu.VMEM((2 * EB, H), jnp.float32),
        pltpu.SemaphoreType.DMA,
        pltpu.SemaphoreType.DMA,
        pltpu.SemaphoreType.DMA,
    ],
)
def _gather_add(p_hbm, q_hbm, src_hbm, dst_hbm, g_hbm,
                idx_sall, idx_dall, idx_s, idx_d, bufa, bufb,
                sema, semb, semw):
    c = lax.axis_index("c")
    s = lax.axis_index("s")
    base = (c * NS + s) * E_PER_TILE

    boff = pl.multiple_of(base, 8)
    pltpu.sync_copy(src_hbm.at[pl.ds(boff, E_PER_TILE)], idx_sall)
    pltpu.sync_copy(dst_hbm.at[pl.ds(boff, E_PER_TILE)], idx_dall)

    def half(par):
        return pl.ds(pl.multiple_of(par * EB, EB), EB)

    def stage_idx(i):
        for k in range(EB // 16):
            sl = pl.ds(k * 16, 16)
            idx_s[sl] = idx_sall[pl.ds(i * EB + k * 16, 16)]
            idx_d[sl] = idx_dall[pl.ds(i * EB + k * 16, 16)]

    def issue_gather(par):
        pltpu.async_copy(p_hbm.at[idx_s], bufa.at[half(par)], sema)
        pltpu.async_copy(q_hbm.at[idx_d], bufb.at[half(par)], semb)

    def wait_gather(par):
        pltpu.make_async_copy(p_hbm.at[idx_s], bufa.at[half(par)], sema).wait()
        pltpu.make_async_copy(q_hbm.at[idx_d], bufb.at[half(par)], semb).wait()

    def drain_write(par, i):
        pltpu.make_async_copy(
            bufa.at[half(par)], g_hbm.at[pl.ds(base + i * EB, EB)],
            semw).wait()

    stage_idx(0)
    issue_gather(0)

    def block(i, carry):
        par = lax.rem(i, 2)
        wait_gather(par)

        @pl.when(i >= 1)
        def _():
            drain_write(1 - par, i - 1)

        @pl.when(i + 1 < BLOCKS_PER_TILE)
        def _():
            stage_idx(i + 1)
            issue_gather(1 - par)

        bo = pl.multiple_of(par * EB, EB)

        def row(r, rc):
            for k in range(H // 16):
                sl = pl.ds(k * 16, 16)
                plsc.addupdate(bufa.at[bo + r, sl], bufb[bo + r, sl])
            return rc

        lax.fori_loop(0, EB, row, 0, unroll=2)
        pltpu.async_copy(
            bufa.at[half(par)], g_hbm.at[pl.ds(base + i * EB, EB)], semw)
        return carry

    lax.fori_loop(0, BLOCKS_PER_TILE, block, 0)
    drain_write((BLOCKS_PER_TILE - 1) % 2, BLOCKS_PER_TILE - 1)


def _mlp_body(g_ref, ea_ref, w1c_ref, b1_ref, w2_ref, b2_ref,
              w3_ref, b3_ref, w4_ref, b4_ref, o_ref):
    h = (g_ref[...]
         + jnp.dot(ea_ref[...], w1c_ref[...], preferred_element_type=jnp.float32)
         + b1_ref[...])
    h = jnp.maximum(h, 0.0)
    h = jnp.maximum(
        jnp.dot(h, w2_ref[...], preferred_element_type=jnp.float32) + b2_ref[...], 0.0)
    h = jnp.maximum(
        jnp.dot(h, w3_ref[...], preferred_element_type=jnp.float32) + b3_ref[...], 0.0)
    o_ref[...] = jnp.dot(h, w4_ref[...], preferred_element_type=jnp.float32) + b4_ref[...]


def _mlp(g, ea, w1c, b1, w2, b2, w3, b3, w4, b4):
    be = 2048
    grid = (E_PAD // be,)
    full = lambda shape: pl.BlockSpec(shape, lambda i: tuple(0 for _ in shape))
    return pl.pallas_call(
        _mlp_body,
        grid=grid,
        in_specs=[
            pl.BlockSpec((be, H), lambda i: (i, 0)),
            pl.BlockSpec((be, DE), lambda i: (i, 0)),
            full((DE, H)),
            full((1, H)),
            full((H, H)),
            full((1, H)),
            full((H, H)),
            full((1, H)),
            full((H, H)),
            full((1, H)),
        ],
        out_specs=pl.BlockSpec((be, H), lambda i: (i, 0)),
        out_shape=jax.ShapeDtypeStruct((E_PAD, H), jnp.float32),
    )(g, ea, w1c, b1, w2, b2, w3, b3, w4, b4)


@functools.partial(
    pl.kernel,
    mesh=_mesh,
    out_type=jax.ShapeDtypeStruct((NC, N_PAD, H), jnp.float32),
    scratch_types=[
        pltpu.VMEM((EB,), jnp.int32),
        pltpu.VMEM((2 * EB, H), jnp.float32),
        pltpu.SemaphoreType.DMA,
        pltpu.VMEM_SHARED((N_PAD, H), jnp.float32),
    ],
)
def _scatter_add(msg_hbm, dst_hbm, part_hbm, idx_d, mbuf, semm, acc):
    c = lax.axis_index("c")
    s = lax.axis_index("s")
    base = (c * NS + s) * E_PER_TILE

    def zrow(r, carry):
        for k in range(H // 16):
            mbuf[r, pl.ds(k * 16, 16)] = jnp.zeros((16,), jnp.float32)
        return carry

    lax.fori_loop(0, EB, zrow, 0)

    def zchunk(j, carry):
        pltpu.sync_copy(mbuf.at[pl.ds(0, EB)],
                        acc.at[pl.ds(s * ROWS_PER_TILE + j * EB, EB)])
        return carry

    lax.fori_loop(0, ROWS_PER_TILE // EB, zchunk, 0)
    rows = pl.ds(s * ROWS_PER_TILE, ROWS_PER_TILE)
    plsc.subcore_barrier()

    def half(par):
        return pl.ds(pl.multiple_of(par * EB, EB), EB)

    def msg_load(i, par):
        pltpu.async_copy(msg_hbm.at[pl.ds(base + i * EB, EB)],
                         mbuf.at[half(par)], semm)

    def msg_wait(i, par):
        pltpu.make_async_copy(msg_hbm.at[pl.ds(base + i * EB, EB)],
                              mbuf.at[half(par)], semm).wait()

    msg_load(0, 0)

    def block(i, carry):
        par = lax.rem(i, 2)
        off = base + i * EB
        pltpu.sync_copy(dst_hbm.at[pl.ds(off, EB)], idx_d)
        msg_wait(i, par)

        @pl.when(i + 1 < BLOCKS_PER_TILE)
        def _():
            msg_load(i + 1, 1 - par)

        pltpu.sync_copy(mbuf.at[half(par)], acc.at[idx_d], add=True)
        return carry

    lax.fori_loop(0, BLOCKS_PER_TILE, block, 0)
    plsc.subcore_barrier()
    pltpu.sync_copy(acc.at[rows], part_hbm.at[c, rows])


def _combine_body(a_ref, b_ref, o_ref):
    o_ref[...] = a_ref[...] + b_ref[...]


def _combine(p0, p1):
    bn = 2000
    grid = (N // bn,)
    return pl.pallas_call(
        _combine_body,
        grid=grid,
        in_specs=[
            pl.BlockSpec((bn, H), lambda i: (i, 0)),
            pl.BlockSpec((bn, H), lambda i: (i, 0)),
        ],
        out_specs=pl.BlockSpec((bn, H), lambda i: (i, 0)),
        out_shape=jax.ShapeDtypeStruct((N, H), jnp.float32),
    )(p0, p1)


def kernel(x, edge_index, edge_attr, W1, b1, W2, b2, W3, b3, W4, b4):
    pad = E_PAD - E
    src = edge_index[:, 0].astype(jnp.int32)
    dst = edge_index[:, 1].astype(jnp.int32)
    src_p = jnp.concatenate([src, jnp.zeros((pad,), jnp.int32)])
    dst_p = jnp.concatenate([dst, jnp.full((pad,), N, jnp.int32)])
    ea_p = jnp.concatenate([edge_attr, jnp.zeros((pad, DE), edge_attr.dtype)])

    w1a, w1b, w1c = W1[:D], W1[D:2 * D], W1[2 * D:]
    p, q = _pq(x, w1a, w1b)
    g = _gather_add(p, q, src_p, dst_p)
    msg = _mlp(g, ea_p, w1c, b1.reshape(1, H), W2, b2.reshape(1, H),
               W3, b3.reshape(1, H), W4, b4.reshape(1, H))
    part = _scatter_add(msg, dst_p)
    return _combine(part[0, :N], part[1, :N])

# --- scband reference (transcript-rebuilt; emitter-appended) ---
"""Pipeline reference for scband-ba-bi-recurrent-relational-net-6743098655676 (READ-ONLY COPY).

The authoritative reference and input builder live on the scoring server;
editing this copy changes nothing except your own understanding.
"""

import jax, jax.numpy as jnp
import numpy as np

N, E, D, DE, H = 10000, 320000, 128, 32, 128

def setup_inputs(seed: int = 0) -> dict:
    key = jax.random.key(seed)
    ks = jax.random.split(key, 12)
    x = jax.random.normal(ks[0], (N, D), dtype=jnp.float32)
    edge_index = jax.random.randint(ks[1], (E, 2), 0, N)
    edge_attr = jax.random.normal(ks[2], (E, DE), dtype=jnp.float32)
    d_in = 2 * D + DE
    W1 = jax.random.normal(ks[3], (d_in, H), dtype=jnp.float32) / np.sqrt(d_in)
    b1 = jnp.zeros((H,), dtype=jnp.float32)
    W2 = jax.random.normal(ks[4], (H, H), dtype=jnp.float32) / np.sqrt(H)
    b2 = jnp.zeros((H,), dtype=jnp.float32)
    W3 = jax.random.normal(ks[5], (H, H), dtype=jnp.float32) / np.sqrt(H)
    b3 = jnp.zeros((H,), dtype=jnp.float32)
    W4 = jax.random.normal(ks[6], (H, H), dtype=jnp.float32) / np.sqrt(H)
    b4 = jnp.zeros((H,), dtype=jnp.float32)
    return {"x": x, "edge_index": edge_index, "edge_attr": edge_attr,
            "W1": W1, "b1": b1, "W2": W2, "b2": b2,
            "W3": W3, "b3": b3, "W4": W4, "b4": b4}

def reference(x, edge_index, edge_attr, W1, b1, W2, b2, W3, b3, W4, b4):
    # message_passing from recurrent relational networks:
    # gather both endpoints, concat with per-edge features, 3x relu MLP + linear
    # (mlp(x,'message-fn',n_hidden)), dropout is identity (edge_keep_prob=1.0),
    # then unsorted_segment_sum of messages onto destination nodes.
    gathered = jnp.take(x, edge_index, axis=0)            # (E, 2, D)
    m = jnp.reshape(gathered, (gathered.shape[0], 2 * x.shape[1]))
    m = jnp.concatenate([m, edge_attr], axis=1)           # (E, 2D+DE)
    h = jax.nn.relu(m @ W1 + b1)
    h = jax.nn.relu(h @ W2 + b2)
    h = jax.nn.relu(h @ W3 + b3)
    msg = h @ W4 + b4                                     # (E, H)
    dst = edge_index[:, 1]
    out = jax.ops.segment_sum(msg, dst, num_segments=x.shape[0])
    return out

if __name__ == "__main__":
    import jax
    _d = setup_inputs()
    print(jax.jit(kernel)(*tuple(_d.values())))

</pallas_src>

<mosaic_0001>
#map = affine_map<(d0, d1) -> (0, 0)>
#map1 = affine_map<(d0, d1) -> (0)>
module attributes {stable_mosaic.version = 14 : i64} {
  func.func @_gather_add(%arg0: i32, %arg1: i32, %arg2: memref<10000x128xf32, #tpu.memory_space<hbm>>, %arg3: memref<10000x128xf32, #tpu.memory_space<hbm>>, %arg4: memref<323584xi32, #tpu.memory_space<hbm>>, %arg5: memref<323584xi32, #tpu.memory_space<hbm>>, %arg6: memref<323584x128xf32, #tpu.memory_space<hbm>>, %arg7: memref<10112xi32, #tpu.memory_space<vmem>>, %arg8: memref<10112xi32, #tpu.memory_space<vmem>>, %arg9: memref<128xi32, #tpu.memory_space<vmem>>, %arg10: memref<128xi32, #tpu.memory_space<vmem>>, %arg11: memref<256x128xf32, #tpu.memory_space<vmem>>, %arg12: memref<256x128xf32, #tpu.memory_space<vmem>>, %arg13: memref<!tpu.dma_semaphore, #tpu.memory_space<semaphore_mem>>, %arg14: memref<!tpu.dma_semaphore, #tpu.memory_space<semaphore_mem>>, %arg15: memref<!tpu.dma_semaphore, #tpu.memory_space<semaphore_mem>>) attributes {dimension_semantics = [#tpu.dimension_semantics<core_parallel>, #tpu.dimension_semantics<subcore_parallel>], iteration_bounds = array<i64: 2, 16>, scalar_prefetch = 0 : i64, scratch_operands = 9 : i64, tpu.core_type = #tpu.core_type<sc_vector_subcore>, window_params = [{transform_indices = #map}, {transform_indices = #map}, {transform_indices = #map1}, {transform_indices = #map1}, {transform_indices = #map}]} {
    %mul3A = arith.constant 16 : i32
    %mul3A_0 = arith.muli %arg0, %mul3A : i32
    %add3A = arith.addi %mul3A_0, %arg1 : i32
    %mul3A_1 = arith.constant 10112 : i32
    %mul3A_2 = arith.muli %add3A, %mul3A_1 : i32
    %multiple_of3A = tpu.assume_multiple %mul3A_2, 8 : i32
    "tpu.region"() ({
      %run_scoped3A = tpu.sem_alloc : memref<!tpu.dma_semaphore, #tpu.memory_space<semaphore_mem>>
      %dma_start3A_142 = tpu.memref_slice %arg4[%multiple_of3A] : memref<323584xi32, #tpu.memory_space<hbm>> -> memref<10112xi32, #tpu.memory_space<hbm>>
      %dma_start3A_143 = tpu.memref_slice %arg4[%multiple_of3A] : memref<323584xi32, #tpu.memory_space<hbm>> -> memref<10112xi32, #tpu.memory_space<hbm>>
      tpu.enqueue_dma source(%dma_start3A_143 : memref<10112xi32, #tpu.memory_space<hbm>>) target(%arg7 : memref<10112xi32, #tpu.memory_space<vmem>>) target_semaphore(%run_scoped3A : memref<!tpu.dma_semaphore, #tpu.memory_space<semaphore_mem>>)
      %dma_wait3A_144 = tpu.memref_slice %arg4[%multiple_of3A] : memref<323584xi32, #tpu.memory_space<hbm>> -> memref<10112xi32, #tpu.memory_space<hbm>>
      %dma_wait3A_145 = tpu.memref_slice %arg4[%multiple_of3A] : memref<323584xi32, #tpu.memory_space<hbm>> -> memref<10112xi32, #tpu.memory_space<hbm>>
      tpu.wait_dma2 semaphore(%run_scoped3A : memref<!tpu.dma_semaphore, #tpu.memory_space<semaphore_mem>>) src(%dma_wait3A_145 : memref<10112xi32, #tpu.memory_space<hbm>>) dst(%arg7 : memref<10112xi32, #tpu.memory_space<vmem>>)
      tpu.yield
    }) : () -> ()
    "tpu.region"() ({
      %run_scoped3A = tpu.sem_alloc : memref<!tpu.dma_semaphore, #tpu.memory_space<semaphore_mem>>
      %dma_start3A_142 = tpu.memref_slice %arg5[%multiple_of3A] : memref<323584xi32, #tpu.memory_space<hbm>> -> memref<10112xi32, #tpu.memory_space<hbm>>
      %dma_start3A_143 = tpu.memref_slice %arg5[%multiple_of3A] : memref<323584xi32, #tpu.memory_space<hbm>> -> memref<10112xi32, #tpu.memory_space<hbm>>
      tpu.enqueue_dma source(%dma_start3A_143 : memref<10112xi32, #tpu.memory_space<hbm>>) target(%arg8 : memref<10112xi32, #tpu.memory_space<vmem>>) target_semaphore(%run_scoped3A : memref<!tpu.dma_semaphore, #tpu.memory_space<semaphore_mem>>)
      %dma_wait3A_144 = tpu.memref_slice %arg5[%multiple_of3A] : memref<323584xi32, #tpu.memory_space<hbm>> -> memref<10112xi32, #tpu.memory_space<hbm>>
      %dma_wait3A_145 = tpu.memref_slice %arg5[%multiple_of3A] : memref<323584xi32, #tpu.memory_space<hbm>> -> memref<10112xi32, #tpu.memory_space<hbm>>
      tpu.wait_dma2 semaphore(%run_scoped3A : memref<!tpu.dma_semaphore, #tpu.memory_space<semaphore_mem>>) src(%dma_wait3A_145 : memref<10112xi32, #tpu.memory_space<hbm>>) dst(%arg8 : memref<10112xi32, #tpu.memory_space<vmem>>)
      tpu.yield
    }) : () -> ()
    %get3A = arith.constant 0 : index
    %get3A_3 = tpu.vector_load %arg7[%get3A] {strides = array<i32>} : memref<10112xi32, #tpu.memory_space<vmem>>, vector<16xi32>,
    %get3A_4 = vector.shape_cast %get3A_3 : vector<16xi32> to vector<16xi32>
    %swap3A = arith.constant 0 : index
    %swap3A_5 = tpu.vector_load %arg9[%swap3A] {strides = array<i32>} : memref<128xi32, #tpu.memory_space<vmem>>, vector<16xi32>,
    %swap3A_6 = vector.shape_cast %swap3A_5 : vector<16xi32> to vector<16xi32>
    %swap3A_7 = vector.shape_cast %get3A_4 : vector<16xi32> to vector<16xi32>
    tpu.vector_store %arg9[%swap3A], %swap3A_7 {strides = array<i32>} : memref<128xi32, #tpu.memory_space<vmem>>, vector<16xi32>,
    %get3A_8 = arith.constant 0 : index
    %get3A_9 = tpu.vector_load %arg8[%get3A_8] {strides = array<i32>} : memref<10112xi32, #tpu.memory_space<vmem>>, vector<16xi32>,
    %get3A_10 = vector.shape_cast %get3A_9 : vector<16xi32> to vector<16xi32>
    %swap3A_11 = arith.constant 0 : index
    %swap3A_12 = tpu.vector_load %arg10[%swap3A_11] {strides = array<i32>} : memref<128xi32, #tpu.memory_space<vmem>>, vector<16xi32>,
    %swap3A_13 = vector.shape_cast %swap3A_12 : vector<16xi32> to vector<16xi32>
    %swap3A_14 = vector.shape_cast %get3A_10 : vector<16xi32> to vector<16xi32>
    tpu.vector_store %arg10[%swap3A_11], %swap3A_14 {strides = array<i32>} : memref<128xi32, #tpu.memory_space<vmem>>, vector<16xi32>,
    %get3A_15 = arith.constant 16 : index
    %get3A_16 = tpu.vector_load %arg7[%get3A_15] {strides = array<i32>} : memref<10112xi32, #tpu.memory_space<vmem>>, vector<16xi32>,
    %get3A_17 = vector.shape_cast %get3A_16 : vector<16xi32> to vector<16xi32>
    %swap3A_18 = arith.constant 16 : index
    %swap3A_19 = tpu.vector_load %arg9[%swap3A_18] {strides = array<i32>} : memref<128xi32, #tpu.memory_space<vmem>>, vector<16xi32>,
    %swap3A_20 = vector.shape_cast %swap3A_19 : vector<16xi32> to vector<16xi32>
    %swap3A_21 = vector.shape_cast %get3A_17 : vector<16xi32> to vector<16xi32>
    tpu.vector_store %arg9[%swap3A_18], %swap3A_21 {strides = array<i32>} : memref<128xi32, #tpu.memory_space<vmem>>, vector<16xi32>,
    %get3A_22 = arith.constant 16 : index
    %get3A_23 = tpu.vector_load %arg8[%get3A_22] {strides = array<i32>} : memref<10112xi32, #tpu.memory_space<vmem>>, vector<16xi32>,
    %get3A_24 = vector.shape_cast %get3A_23 : vector<16xi32> to vector<16xi32>
    %swap3A_25 = arith.constant 16 : index
    %swap3A_26 = tpu.vector_load %arg10[%swap3A_25] {strides = array<i32>} : memref<128xi32, #tpu.memory_space<vmem>>, vector<16xi32>,
    %swap3A_27 = vector.shape_cast %swap3A_26 : vector<16xi32> to vector<16xi32>
    %swap3A_28 = vector.shape_cast %get3A_24 : vector<16xi32> to vector<16xi32>
    tpu.vector_store %arg10[%swap3A_25], %swap3A_28 {strides = array<i32>} : memref<128xi32, #tpu.memory_space<vmem>>, vector<16xi32>,
    %get3A_29 = arith.constant 32 : index
    %get3A_30 = tpu.vector_load %arg7[%get3A_29] {strides = array<i32>} : memref<10112xi32, #tpu.memory_space<vmem>>, vector<16xi32>,
    %get3A_31 = vector.shape_cast %get3A_30 : vector<16xi32> to vector<16xi32>
    %swap3A_32 = arith.constant 32 : index
    %swap3A_33 = tpu.vector_load %arg9[%swap3A_32] {strides = array<i32>} : memref<128xi32, #tpu.memory_space<vmem>>, vector<16xi32>,
    %swap3A_34 = vector.shape_cast %swap3A_33 : vector<16xi32> to vector<16xi32>
    %swap3A_35 = vector.shape_cast %get3A_31 : vector<16xi32> to vector<16xi32>
    tpu.vector_store %arg9[%swap3A_32], %swap3A_35 {strides = array<i32>} : memref<128xi32, #tpu.memory_space<vmem>>, vector<16xi32>,
    %get3A_36 = arith.constant 32 : index
    %get3A_37 = tpu.vector_load %arg8[%get3A_36] {strides = array<i32>} : memref<10112xi32, #tpu.memory_space<vmem>>, vector<16xi32>,
    %get3A_38 = vector.shape_cast %get3A_37 : vector<16xi32> to vector<16xi32>
    %swap3A_39 = arith.constant 32 : index
    %swap3A_40 = tpu.vector_load %arg10[%swap3A_39] {strides = array<i32>} : memref<128xi32, #tpu.memory_space<vmem>>, vector<16xi32>,
    %swap3A_41 = vector.shape_cast %swap3A_40 : vector<16xi32> to vector<16xi32>
    %swap3A_42 = vector.shape_cast %get3A_38 : vector<16xi32> to vector<16xi32>
    tpu.vector_store %arg10[%swap3A_39], %swap3A_42 {strides = array<i32>} : memref<128xi32, #tpu.memory_space<vmem>>, vector<16xi32>,
    %get3A_43 = arith.constant 48 : index
    %get3A_44 = tpu.vector_load %arg7[%get3A_43] {strides = array<i32>} : memref<10112xi32, #tpu.memory_space<vmem>>, vector<16xi32>,
    %get3A_45 = vector.shape_cast %get3A_44 : vector<16xi32> to vector<16xi32>
    %swap3A_46 = arith.constant 48 : index
    %swap3A_47 = tpu.vector_load %arg9[%swap3A_46] {strides = array<i32>} : memref<128xi32, #tpu.memory_space<vmem>>, vector<16xi32>,
    %swap3A_48 = vector.shape_cast %swap3A_47 : vector<16xi32> to vector<16xi32>
    %swap3A_49 = vector.shape_cast %get3A_45 : vector<16xi32> to vector<16xi32>
    tpu.vector_store %arg9[%swap3A_46], %swap3A_49 {strides = array<i32>} : memref<128xi32, #tpu.memory_space<vmem>>, vector<16xi32>,
    %get3A_50 = arith.constant 48 : index
    %get3A_51 = tpu.vector_load %arg8[%get3A_50] {strides = array<i32>} : memref<10112xi32, #tpu.memory_space<vmem>>, vector<16xi32>,
    %get3A_52 = vector.shape_cast %get3A_51 : vector<16xi32> to vector<16xi32>
    %swap3A_53 = arith.constant 48 : index
    %swap3A_54 = tpu.vector_load %arg10[%swap3A_53] {strides = array<i32>} : memref<128xi32, #tpu.memory_space<vmem>>, vector<16xi32>,
    %swap3A_55 = vector.shape_cast %swap3A_54 : vector<16xi32> to vector<16xi32>
    %swap3A_56 = vector.shape_cast %get3A_52 : vector<16xi32> to vector<16xi32>
    tpu.vector_store %arg10[%swap3A_53], %swap3A_56 {strides = array<i32>} : memref<128xi32, #tpu.memory_space<vmem>>, vector<16xi32>,
    %get3A_57 = arith.constant 64 : index
    %get3A_58 = tpu.vector_load %arg7[%get3A_57] {strides = array<i32>} : memref<10112xi32, #tpu.memory_space<vmem>>, vector<16xi32>,
    %get3A_59 = vector.shape_cast %get3A_58 : vector<16xi32> to vector<16xi32>
    %swap3A_60 = arith.constant 64 : index
    %swap3A_61 = tpu.vector_load %arg9[%swap3A_60] {strides = array<i32>} : memref<128xi32, #tpu.memory_space<vmem>>, vector<16xi32>,
    %swap3A_62 = vector.shape_cast %swap3A_61 : vector<16xi32> to vector<16xi32>
    %swap3A_63 = vector.shape_cast %get3A_59 : vector<16xi32> to vector<16xi32>
    tpu.vector_store %arg9[%swap3A_60], %swap3A_63 {strides = array<i32>} : memref<128xi32, #tpu.memory_space<vmem>>, vector<16xi32>,
    %get3A_64 = arith.constant 64 : index
    %get3A_65 = tpu.vector_load %arg8[%get3A_64] {strides = array<i32>} : memref<10112xi32, #tpu.memory_space<vmem>>, vector<16xi32>,
    %get3A_66 = vector.shape_cast %get3A_65 : vector<16xi32> to vector<16xi32>
    %swap3A_67 = arith.constant 64 : index
    %swap3A_68 = tpu.vector_load %arg10[%swap3A_67] {strides = array<i32>} : memref<128xi32, #tpu.memory_space<vmem>>, vector<16xi32>,
    %swap3A_69 = vector.shape_cast %swap3A_68 : vector<16xi32> to vector<16xi32>
    %swap3A_70 = vector.shape_cast %get3A_66 : vector<16xi32> to vector<16xi32>
    tpu.vector_store %arg10[%swap3A_67], %swap3A_70 {strides = array<i32>} : memref<128xi32, #tpu.memory_space<vmem>>, vector<16xi32>,
    %get3A_71 = arith.constant 80 : index
    %get3A_72 = tpu.vector_load %arg7[%get3A_71] {strides = array<i32>} : memref<10112xi32, #tpu.memory_space<vmem>>, vector<16xi32>,
    %get3A_73 = vector.shape_cast %get3A_72 : vector<16xi32> to vector<16xi32>
    %swap3A_74 = arith.constant 80 : index
    %swap3A_75 = tpu.vector_load %arg9[%swap3A_74] {strides = array<i32>} : memref<128xi32, #tpu.memory_space<vmem>>, vector<16xi32>,
    %swap3A_76 = vector.shape_cast %swap3A_75 : vector<16xi32> to vector<16xi32>
    %swap3A_77 = vector.shape_cast %get3A_73 : vector<16xi32> to vector<16xi32>
    tpu.vector_store %arg9[%swap3A_74], %swap3A_77 {strides = array<i32>} : memref<128xi32, #tpu.memory_space<vmem>>, vector<16xi32>,
    %get3A_78 = arith.constant 80 : index
    %get3A_79 = tpu.vector_load %arg8[%get3A_78] {strides = array<i32>} : memref<10112xi32, #tpu.memory_space<vmem>>, vector<16xi32>,
    %get3A_80 = vector.shape_cast %get3A_79 : vector<16xi32> to vector<16xi32>
    %swap3A_81 = arith.constant 80 : index
    %swap3A_82 = tpu.vector_load %arg10[%swap3A_81] {strides = array<i32>} : memref<128xi32, #tpu.memory_space<vmem>>, vector<16xi32>,
    %swap3A_83 = vector.shape_cast %swap3A_82 : vector<16xi32> to vector<16xi32>
    %swap3A_84 = vector.shape_cast %get3A_80 : vector<16xi32> to vector<16xi32>
    tpu.vector_store %arg10[%swap3A_81], %swap3A_84 {strides = array<i32>} : memref<128xi32, #tpu.memory_space<vmem>>, vector<16xi32>,
    %get3A_85 = arith.constant 96 : index
    %get3A_86 = tpu.vector_load %arg7[%get3A_85] {strides = array<i32>} : memref<10112xi32, #tpu.memory_space<vmem>>, vector<16xi32>,
    %get3A_87 = vector.shape_cast %get3A_86 : vector<16xi32> to vector<16xi32>
    %swap3A_88 = arith.constant 96 : index
    %swap3A_89 = tpu.vector_load %arg9[%swap3A_88] {strides = array<i32>} : memref<128xi32, #tpu.memory_space<vmem>>, vector<16xi32>,
    %swap3A_90 = vector.shape_cast %swap3A_89 : vector<16xi32> to vector<16xi32>
    %swap3A_91 = vector.shape_cast %get3A_87 : vector<16xi32> to vector<16xi32>
    tpu.vector_store %arg9[%swap3A_88], %swap3A_91 {strides = array<i32>} : memref<128xi32, #tpu.memory_space<vmem>>, vector<16xi32>,
    %get3A_92 = arith.constant 96 : index
    %get3A_93 = tpu.vector_load %arg8[%get3A_92] {strides = array<i32>} : memref<10112xi32, #tpu.memory_space<vmem>>, vector<16xi32>,
    %get3A_94 = vector.shape_cast %get3A_93 : vector<16xi32> to vector<16xi32>
    %swap3A_95 = arith.constant 96 : index
    %swap3A_96 = tpu.vector_load %arg10[%swap3A_95] {strides = array<i32>} : memref<128xi32, #tpu.memory_space<vmem>>, vector<16xi32>,
    %swap3A_97 = vector.shape_cast %swap3A_96 : vector<16xi32> to vector<16xi32>
    %swap3A_98 = vector.shape_cast %get3A_94 : vector<16xi32> to vector<16xi32>
    tpu.vector_store %arg10[%swap3A_95], %swap3A_98 {strides = array<i32>} : memref<128xi32, #tpu.memory_space<vmem>>, vector<16xi32>,
    %get3A_99 = arith.constant 112 : index
    %get3A_100 = tpu.vector_load %arg7[%get3A_99] {strides = array<i32>} : memref<10112xi32, #tpu.memory_space<vmem>>, vector<16xi32>,
    %get3A_101 = vector.shape_cast %get3A_100 : vector<16xi32> to vector<16xi32>
    %swap3A_102 = arith.constant 112 : index
    %swap3A_103 = tpu.vector_load %arg9[%swap3A_102] {strides = array<i32>} : memref<128xi32, #tpu.memory_space<vmem>>, vector<16xi32>,
    %swap3A_104 = vector.shape_cast %swap3A_103 : vector<16xi32> to vector<16xi32>
    %swap3A_105 = vector.shape_cast %get3A_101 : vector<16xi32> to vector<16xi32>
    tpu.vector_store %arg9[%swap3A_102], %swap3A_105 {strides = array<i32>} : memref<128xi32, #tpu.memory_space<vmem>>, vector<16xi32>,
    %get3A_106 = arith.constant 112 : index
    %get3A_107 = tpu.vector_load %arg8[%get3A_106] {strides = array<i32>} : memref<10112xi32, #tpu.memory_space<vmem>>, vector<16xi32>,
    %get3A_108 = vector.shape_cast %get3A_107 : vector<16xi32> to vector<16xi32>
    %swap3A_109 = arith.constant 112 : index
    %swap3A_110 = tpu.vector_load %arg10[%swap3A_109] {strides = array<i32>} : memref<128xi32, #tpu.memory_space<vmem>>, vector<16xi32>,
    %swap3A_111 = vector.shape_cast %swap3A_110 : vector<16xi32> to vector<16xi32>
    %swap3A_112 = vector.shape_cast %get3A_108 : vector<16xi32> to vector<16xi32>
    tpu.vector_store %arg10[%swap3A_109], %swap3A_112 {strides = array<i32>} : memref<128xi32, #tpu.memory_space<vmem>>, vector<16xi32>,
    %multiple_of3A_113 = arith.constant 0 : i32
    %multiple_of3A_114 = tpu.assume_multiple %multiple_of3A_113, 128 : i32
    %dma_start3A = arith.constant 0 : i32
    %dma_start3A_115 = tpu.memref_slice %arg11[%multiple_of3A_114, %dma_start3A] : memref<256x128xf32, #tpu.memory_space<vmem>> -> memref<128x128xf32, #tpu.memory_space<vmem>>
    %dma_start3A_116 = arith.constant 0 : i32
    %dma_start3A_117 = arith.constant 0 : i32
    %dma_start3A_118 = tpu.memref_slice %arg2[%dma_start3A_116, %dma_start3A_117] : memref<10000x128xf32, #tpu.memory_space<hbm>> -> memref<10000x128xf32, #tpu.memory_space<hbm>>
    tpu.enqueue_indirect_dma source(%dma_start3A_118 : memref<10000x128xf32, #tpu.memory_space<hbm>>) target(%dma_start3A_115 : memref<128x128xf32, #tpu.memory_space<vmem>>) offsets(%arg9 : memref<128xi32, #tpu.memory_space<vmem>>) semaphore(%arg13 : memref<!tpu.dma_semaphore, #tpu.memory_space<semaphore_mem>>)
    %multiple_of3A_119 = arith.constant 0 : i32
    %multiple_of3A_120 = tpu.assume_multiple %multiple_of3A_119, 128 : i32
    %dma_start3A_121 = arith.constant 0 : i32
    %dma_start3A_122 = tpu.memref_slice %arg12[%multiple_of3A_120, %dma_start3A_121] : memref<256x128xf32, #tpu.memory_space<vmem>> -> memref<128x128xf32, #tpu.memory_space<vmem>>
    %dma_start3A_123 = arith.constant 0 : i32
    %dma_start3A_124 = arith.constant 0 : i32
    %dma_start3A_125 = tpu.memref_slice %arg3[%dma_start3A_123, %dma_start3A_124] : memref<10000x128xf32, #tpu.memory_space<hbm>> -> memref<10000x128xf32, #tpu.memory_space<hbm>>
    tpu.enqueue_indirect_dma source(%dma_start3A_125 : memref<10000x128xf32, #tpu.memory_space<hbm>>) target(%dma_start3A_122 : memref<128x128xf32, #tpu.memory_space<vmem>>) offsets(%arg10 : memref<128xi32, #tpu.memory_space<vmem>>) semaphore(%arg14 : memref<!tpu.dma_semaphore, #tpu.memory_space<semaphore_mem>>)
    %scan3A = arith.constant 0 : i32
    %scan3A_126 = arith.constant 0 : i32
    %scan3A_127 = arith.constant 79 : i32
    %scan3A_128 = arith.addi %scan3A_126, %scan3A_127 : i32
    %scan3A_129 = arith.constant 1 : i32
    scf.for %scan3A_142 = %scan3A_126 to %scan3A_128 step %scan3A_129  : i32 {
      %rem3A = arith.constant 2 : i32
      %rem3A_143 = arith.remsi %scan3A_142, %rem3A : i32
      %mul3A_144 = arith.constant 128 : i32
      %mul3A_145 = arith.muli %rem3A_143, %mul3A_144 : i32
      %multiple_of3A_146 = tpu.assume_multiple %mul3A_145, 128 : i32
      %dma_wait3A_147 = arith.constant 0 : i32
      %dma_wait3A_148 = tpu.memref_slice %arg11[%multiple_of3A_146, %dma_wait3A_147] : memref<256x128xf32, #tpu.memory_space<vmem>> -> memref<128x128xf32, #tpu.memory_space<vmem>>
      %dma_wait3A_149 = arith.constant 0 : i32
      %dma_wait3A_150 = arith.constant 0 : i32
      %dma_wait3A_151 = tpu.memref_slice %arg2[%dma_wait3A_149, %dma_wait3A_150] : memref<10000x128xf32, #tpu.memory_space<hbm>> -> memref<10000x128xf32, #tpu.memory_space<hbm>>
      tpu.wait_indirect_dma semaphore(%arg13 : memref<!tpu.dma_semaphore, #tpu.memory_space<semaphore_mem>>) src(%dma_wait3A_151 : memref<10000x128xf32, #tpu.memory_space<hbm>>) dst(%dma_wait3A_148 : memref<128x128xf32, #tpu.memory_space<vmem>>)
      %mul3A_152 = arith.constant 128 : i32
      %mul3A_153 = arith.muli %rem3A_143, %mul3A_152 : i32
      %multiple_of3A_154 = tpu.assume_multiple %mul3A_153, 128 : i32
      %dma_wait3A_155 = arith.constant 0 : i32
      %dma_wait3A_156 = tpu.memref_slice %arg12[%multiple_of3A_154, %dma_wait3A_155] : memref<256x128xf32, #tpu.memory_space<vmem>> -> memref<128x128xf32, #tpu.memory_space<vmem>>
      %dma_wait3A_157 = arith.constant 0 : i32
      %dma_wait3A_158 = arith.constant 0 : i32
      %dma_wait3A_159 = tpu.memref_slice %arg3[%dma_wait3A_157, %dma_wait3A_158] : memref<10000x128xf32, #tpu.memory_space<hbm>> -> memref<10000x128xf32, #tpu.memory_space<hbm>>
      tpu.wait_indirect_dma semaphore(%arg14 : memref<!tpu.dma_semaphore, #tpu.memory_space<semaphore_mem>>) src(%dma_wait3A_159 : memref<10000x128xf32, #tpu.memory_space<hbm>>) dst(%dma_wait3A_156 : memref<128x128xf32, #tpu.memory_space<vmem>>)
      %ge3A = arith.constant 1 : i32
      %ge3A_160 = arith.cmpi sge, %scan3A_142, %ge3A : i32
      %convert_element_type3A = arith.extui %ge3A_160 : i1 to i32
      %cond3A = arith.constant 0 : i32
      %cond3A_161 = arith.cmpi ne, %convert_element_type3A, %cond3A : i32
      scf.if %cond3A_161 {
        %sub3A = arith.constant 1 : i32
        %sub3A_191 = arith.subi %sub3A, %rem3A_143 : i32
        %sub3A_192 = arith.constant 1 : i32
        %sub3A_193 = arith.subi %scan3A_142, %sub3A_192 : i32
        %mul3A_194 = arith.constant 128 : i32
        %mul3A_195 = arith.muli %sub3A_191, %mul3A_194 : i32
        %multiple_of3A_196 = tpu.assume_multiple %mul3A_195, 128 : i32
        %mul3A_197 = arith.constant 128 : i32
        %mul3A_198 = arith.muli %sub3A_193, %mul3A_197 : i32
        %add3A_199 = arith.addi %mul3A_2, %mul3A_198 : i32
        %dma_wait3A_200 = arith.constant 0 : i32
        %dma_wait3A_201 = tpu.memref_slice %arg11[%multiple_of3A_196, %dma_wait3A_200] : memref<256x128xf32, #tpu.memory_space<vmem>> -> memref<128x128xf32, #tpu.memory_space<vmem>>
        %dma_wait3A_202 = arith.constant 0 : i32
        %dma_wait3A_203 = tpu.memref_slice %arg6[%add3A_199, %dma_wait3A_202] : memref<323584x128xf32, #tpu.memory_space<hbm>> -> memref<128x128xf32, #tpu.memory_space<hbm>>
        %dma_wait3A_204 = arith.constant 0 : i32
        %dma_wait3A_205 = tpu.memref_slice %arg6[%add3A_199, %dma_wait3A_204] : memref<323584x128xf32, #tpu.memory_space<hbm>> -> memref<128x128xf32, #tpu.memory_space<hbm>>
        %dma_wait3A_206 = arith.constant 0 : i32
        %dma_wait3A_207 = tpu.memref_slice %arg11[%multiple_of3A_196, %dma_wait3A_206] : memref<256x128xf32, #tpu.memory_space<vmem>> -> memref<128x128xf32, #tpu.memory_space<vmem>>
        tpu.wait_dma2 semaphore(%arg15 : memref<!tpu.dma_semaphore, #tpu.memory_space<semaphore_mem>>) src(%dma_wait3A_207 : memref<128x128xf32, #tpu.memory_space<vmem>>) dst(%dma_wait3A_205 : memref<128x128xf32, #tpu.memory_space<hbm>>)
      } else {
      }
      %add3A_162 = arith.constant 1 : i32
      %add3A_163 = arith.addi %scan3A_142, %add3A_162 : i32
      %lt3A = arith.constant 79 : i32
      %lt3A_164 = arith.cmpi slt, %add3A_163, %lt3A : i32
      %convert_element_type3A_165 = arith.extui %lt3A_164 : i1 to i32
      %cond3A_166 = arith.constant 0 : i32
      %cond3A_167 = arith.cmpi ne, %convert_element_type3A_165, %cond3A_166 : i32
      scf.if %cond3A_167 {
        %add3A_191 = arith.constant 1 : i32
        %add3A_192 = arith.addi %scan3A_142, %add3A_191 : i32
        %mul3A_193 = arith.constant 128 : i32
        %mul3A_194 = arith.muli %add3A_192, %mul3A_193 : i32
        %add3A_195 = arith.constant 0 : i32
        %add3A_196 = arith.addi %mul3A_194, %add3A_195 : i32
        %get3A_197 = arith.index_cast %add3A_196 : i32 to index
        %get3A_198 = tpu.vector_load %arg7[%get3A_197] {strides = array<i32>} : memref<10112xi32, #tpu.memory_space<vmem>>, vector<16xi32>,
        %get3A_199 = vector.shape_cast %get3A_198 : vector<16xi32> to vector<16xi32>
        %swap3A_200 = arith.constant 0 : index
        %swap3A_201 = tpu.vector_load %arg9[%swap3A_200] {strides = array<i32>} : memref<128xi32, #tpu.memory_space<vmem>>, vector<16xi32>,
        %swap3A_202 = vector.shape_cast %swap3A_201 : vector<16xi32> to vector<16xi32>
        %swap3A_203 = vector.shape_cast %get3A_199 : vector<16xi32> to vector<16xi32>
        tpu.vector_store %arg9[%swap3A_200], %swap3A_203 {strides = array<i32>} : memref<128xi32, #tpu.memory_space<vmem>>, vector<16xi32>,
        %mul3A_204 = arith.constant 128 : i32
        %mul3A_205 = arith.muli %add3A_192, %mul3A_204 : i32
        %add3A_206 = arith.constant 0 : i32
        %add3A_207 = arith.addi %mul3A_205, %add3A_206 : i32
        %get3A_208 = arith.index_cast %add3A_207 : i32 to index
        %get3A_209 = tpu.vector_load %arg8[%get3A_208] {strides = array<i32>} : memref<10112xi32, #tpu.memory_space<vmem>>, vector<16xi32>,
        %get3A_210 = vector.shape_cast %get3A_209 : vector<16xi32> to vector<16xi32>
        %swap3A_211 = arith.constant 0 : index
        %swap3A_212 = tpu.vector_load %arg10[%swap3A_211] {strides = array<i32>} : memref<128xi32, #tpu.memory_space<vmem>>, vector<16xi32>,
        %swap3A_213 = vector.shape_cast %swap3A_212 : vector<16xi32> to vector<16xi32>
        %swap3A_214 = vector.shape_cast %get3A_210 : vector<16xi32> to vector<16xi32>
        tpu.vector_store %arg10[%swap3A_211], %swap3A_214 {strides = array<i32>} : memref<128xi32, #tpu.memory_space<vmem>>, vector<16xi32>,
        %mul3A_215 = arith.constant 128 : i32
        %mul3A_216 = arith.muli %add3A_192, %mul3A_215 : i32
        %add3A_217 = arith.constant 16 : i32
        %add3A_218 = arith.addi %mul3A_216, %add3A_217 : i32
        %get3A_219 = arith.index_cast %add3A_218 : i32 to index
        %get3A_220 = tpu.vector_load %arg7[%get3A_219] {strides = array<i32>} : memref<10112xi32, #tpu.memory_space<vmem>>, vector<16xi32>,
        %get3A_221 = vector.shape_cast %get3A_220 : vector<16xi32> to vector<16xi32>
        %swap3A_222 = arith.constant 16 : index
        %swap3A_223 = tpu.vector_load %arg9[%swap3A_222] {strides = array<i32>} : memref<128xi32, #tpu.memory_space<vmem>>, vector<16xi32>,
        %swap3A_224 = vector.shape_cast %swap3A_223 : vector<16xi32> to vector<16xi32>
        %swap3A_225 = vector.shape_cast %get3A_221 : vector<16xi32> to vector<16xi32>
        tpu.vector_store %arg9[%swap3A_222], %swap3A_225 {strides = array<i32>} : memref<128xi32, #tpu.memory_space<vmem>>, vector<16xi32>,
        %mul3A_226 = arith.constant 128 : i32
        %mul3A_227 = arith.muli %add3A_192, %mul3A_226 : i32
        %add3A_228 = arith.constant 16 : i32
        %add3A_229 = arith.addi %mul3A_227, %add3A_228 : i32
        %get3A_230 = arith.index_cast %add3A_229 : i32 to index
        %get3A_231 = tpu.vector_load %arg8[%get3A_230] {strides = array<i32>} : memref<10112xi32, #tpu.memory_space<vmem>>, vector<16xi32>,
        %get3A_232 = vector.shape_cast %get3A_231 : vector<16xi32> to vector<16xi32>
        %swap3A_233 = arith.constant 16 : index
        %swap3A_234 = tpu.vector_load %arg10[%swap3A_233] {strides = array<i32>} : memref<128xi32, #tpu.memory_space<vmem>>, vector<16xi32>,
        %swap3A_235 = vector.shape_cast %swap3A_234 : vector<16xi32> to vector<16xi32>
        %swap3A_236 = vector.shape_cast %get3A_232 : vector<16xi32> to vector<16xi32>
        tpu.vector_store %arg10[%swap3A_233], %swap3A_236 {strides = array<i32>} : memref<128xi32, #tpu.memory_space<vmem>>, vector<16xi32>,
        %mul3A_237 = arith.constant 128 : i32
        %mul3A_238 = arith.muli %add3A_192, %mul3A_237 : i32
        %add3A_239 = arith.constant 32 : i32
        %add3A_240 = arith.addi %mul3A_238, %add3A_239 : i32
        %get3A_241 = arith.index_cast %add3A_240 : i32 to index
        %get3A_242 = tpu.vector_load %arg7[%get3A_241] {strides = array<i32>} : memref<10112xi32, #tpu.memory_space<vmem>>, vector<16xi32>,
        %get3A_243 = vector.shape_cast %get3A_242 : vector<16xi32> to vector<16xi32>
        %swap3A_244 = arith.constant 32 : index
        %swap3A_245 = tpu.vector_load %arg9[%swap3A_244] {strides = array<i32>} : memref<128xi32, #tpu.memory_space<vmem>>, vector<16xi32>,
        %swap3A_246 = vector.shape_cast %swap3A_245 : vector<16xi32> to vector<16xi32>
        %swap3A_247 = vector.shape_cast %get3A_243 : vector<16xi32> to vector<16xi32>
        tpu.vector_store %arg9[%swap3A_244], %swap3A_247 {strides = array<i32>} : memref<128xi32, #tpu.memory_space<vmem>>, vector<16xi32>,
        %mul3A_248 = arith.constant 128 : i32
        %mul3A_249 = arith.muli %add3A_192, %mul3A_248 : i32
        %add3A_250 = arith.constant 32 : i32
        %add3A_251 = arith.addi %mul3A_249, %add3A_250 : i32
        %get3A_252 = arith.index_cast %add3A_251 : i32 to index
        %get3A_253 = tpu.vector_load %arg8[%get3A_252] {strides = array<i32>} : memref<10112xi32, #tpu.memory_space<vmem>>, vector<16xi32>,
        %get3A_254 = vector.shape_cast %get3A_253 : vector<16xi32> to vector<16xi32>
        %swap3A_255 = arith.constant 32 : index
        %swap3A_256 = tpu.vector_load %arg10[%swap3A_255] {strides = array<i32>} : memref<128xi32, #tpu.memory_space<vmem>>, vector<16xi32>,
        %swap3A_257 = vector.shape_cast %swap3A_256 : vector<16xi32> to vector<16xi32>
        %swap3A_258 = vector.shape_cast %get3A_254 : vector<16xi32> to vector<16xi32>
        tpu.vector_store %arg10[%swap3A_255], %swap3A_258 {strides = array<i32>} : memref<128xi32, #tpu.memory_space<vmem>>, vector<16xi32>,
        %mul3A_259 = arith.constant 128 : i32
        %mul3A_260 = arith.muli %add3A_192, %mul3A_259 : i32
        %add3A_261 = arith.constant 48 : i32
        %add3A_262 = arith.addi %mul3A_260, %add3A_261 : i32
        %get3A_263 = arith.index_cast %add3A_262 : i32 to index
        %get3A_264 = tpu.vector_load %arg7[%get3A_263] {strides = array<i32>} : memref<10112xi32, #tpu.memory_space<vmem>>, vector<16xi32>,
        %get3A_265 = vector.shape_cast %get3A_264 : vector<16xi32> to vector<16xi32>
        %swap3A_266 = arith.constant 48 : index
        %swap3A_267 = tpu.vector_load %arg9[%swap3A_266] {strides = array<i32>} : memref<128xi32, #tpu.memory_space<vmem>>, vector<16xi32>,
        %swap3A_268 = vector.shape_cast %swap3A_267 : vector<16xi32> to vector<16xi32>
        %swap3A_269 = vector.shape_cast %get3A_265 : vector<16xi32> to vector<16xi32>
        tpu.vector_store %arg9[%swap3A_266], %swap3A_269 {strides = array<i32>} : memref<128xi32, #tpu.memory_space<vmem>>, vector<16xi32>,
        %mul3A_270 = arith.constant 128 : i32
        %mul3A_271 = arith.muli %add3A_192, %mul3A_270 : i32
        %add3A_272 = arith.constant 48 : i32
        %add3A_273 = arith.addi %mul3A_271, %add3A_272 : i32
        %get3A_274 = arith.index_cast %add3A_273 : i32 to index
        %get3A_275 = tpu.vector_load %arg8[%get3A_274] {strides = array<i32>} : memref<10112xi32, #tpu.memory_space<vmem>>, vector<16xi32>,
        %get3A_276 = vector.shape_cast %get3A_275 : vector<16xi32> to vector<16xi32>
        %swap3A_277 = arith.constant 48 : index
        %swap3A_278 = tpu.vector_load %arg10[%swap3A_277] {strides = array<i32>} : memref<128xi32, #tpu.memory_space<vmem>>, vector<16xi32>,
        %swap3A_279 = vector.shape_cast %swap3A_278 : vector<16xi32> to vector<16xi32>
        %swap3A_280 = vector.shape_cast %get3A_276 : vector<16xi32> to vector<16xi32>
        tpu.vector_store %arg10[%swap3A_277], %swap3A_280 {strides = array<i32>} : memref<128xi32, #tpu.memory_space<vmem>>, vector<16xi32>,
        %mul3A_281 = arith.constant 128 : i32
        %mul3A_282 = arith.muli %add3A_192, %mul3A_281 : i32
        %add3A_283 = arith.constant 64 : i32
        %add3A_284 = arith.addi %mul3A_282, %add3A_283 : i32
        %get3A_285 = arith.index_cast %add3A_284 : i32 to index
        %get3A_286 = tpu.vector_load %arg7[%get3A_285] {strides = array<i32>} : memref<10112xi32, #tpu.memory_space<vmem>>, vector<16xi32>,
        %get3A_287 = vector.shape_cast %get3A_286 : vector<16xi32> to vector<16xi32>
        %swap3A_288 = arith.constant 64 : index
        %swap3A_289 = tpu.vector_load %arg9[%swap3A_288] {strides = array<i32>} : memref<128xi32, #tpu.memory_space<vmem>>, vector<16xi32>,
        %swap3A_290 = vector.shape_cast %swap3A_289 : vector<16xi32> to vector<16xi32>
        %swap3A_291 = vector.shape_cast %get3A_287 : vector<16xi32> to vector<16xi32>
        tpu.vector_store %arg9[%swap3A_288], %swap3A_291 {strides = array<i32>} : memref<128xi32, #tpu.memory_space<vmem>>, vector<16xi32>,
        %mul3A_292 = arith.constant 128 : i32
        %mul3A_293 = arith.muli %add3A_192, %mul3A_292 : i32
        %add3A_294 = arith.constant 64 : i32
        %add3A_295 = arith.addi %mul3A_293, %add3A_294 : i32
        %get3A_296 = arith.index_cast %add3A_295 : i32 to index
        %get3A_297 = tpu.vector_load %arg8[%get3A_296] {strides = array<i32>} : memref<10112xi32, #tpu.memory_space<vmem>>, vector<16xi32>,
        %get3A_298 = vector.shape_cast %get3A_297 : vector<16xi32> to vector<16xi32>
        %swap3A_299 = arith.constant 64 : index
        %swap3A_300 = tpu.vector_load %arg10[%swap3A_299] {strides = array<i32>} : memref<128xi32, #tpu.memory_space<vmem>>, vector<16xi32>,
        %swap3A_301 = vector.shape_cast %swap3A_300 : vector<16xi32> to vector<16xi32>
        %swap3A_302 = vector.shape_cast %get3A_298 : vector<16xi32> to vector<16xi32>
        tpu.vector_store %arg10[%swap3A_299], %swap3A_302 {strides = array<i32>} : memref<128xi32, #tpu.memory_space<vmem>>, vector<16xi32>,
        %mul3A_303 = arith.constant 128 : i32
        %mul3A_304 = arith.muli %add3A_192, %mul3A_303 : i32
        %add3A_305 = arith.constant 80 : i32
        %add3A_306 = arith.addi %mul3A_304, %add3A_305 : i32
        %get3A_307 = arith.index_cast %add3A_306 : i32 to index
        %get3A_308 = tpu.vector_load %arg7[%get3A_307] {strides = array<i32>} : memref<10112xi32, #tpu.memory_space<vmem>>, vector<16xi32>,
        %get3A_309 = vector.shape_cast %get3A_308 : vector<16xi32> to vector<16xi32>
        %swap3A_310 = arith.constant 80 : index
        %swap3A_311 = tpu.vector_load %arg9[%swap3A_310] {strides = array<i32>} : memref<128xi32, #tpu.memory_space<vmem>>, vector<16xi32>,
        %swap3A_312 = vector.shape_cast %swap3A_311 : vector<16xi32> to vector<16xi32>
        %swap3A_313 = vector.shape_cast %get3A_309 : vector<16xi32> to vector<16xi32>
        tpu.vector_store %arg9[%swap3A_310], %swap3A_313 {strides = array<i32>} : memref<128xi32, #tpu.memory_space<vmem>>, vector<16xi32>,
        %mul3A_314 = arith.constant 128 : i32
        %mul3A_315 = arith.muli %add3A_192, %mul3A_314 : i32
        %add3A_316 = arith.constant 80 : i32
        %add3A_317 = arith.addi %mul3A_315, %add3A_316 : i32
        %get3A_318 = arith.index_cast %add3A_317 : i32 to index
        %get3A_319 = tpu.vector_load %arg8[%get3A_318] {strides = array<i32>} : memref<10112xi32, #tpu.memory_space<vmem>>, vector<16xi32>,
        %get3A_320 = vector.shape_cast %get3A_319 : vector<16xi32> to vector<16xi32>
        %swap3A_321 = arith.constant 80 : index
        %swap3A_322 = tpu.vector_load %arg10[%swap3A_321] {strides = array<i32>} : memref<128xi32, #tpu.memory_space<vmem>>, vector<16xi32>,
        %swap3A_323 = vector.shape_cast %swap3A_322 : vector<16xi32> to vector<16xi32>
        %swap3A_324 = vector.shape_cast %get3A_320 : vector<16xi32> to vector<16xi32>
        tpu.vector_store %arg10[%swap3A_321], %swap3A_324 {strides = array<i32>} : memref<128xi32, #tpu.memory_space<vmem>>, vector<16xi32>,
        %mul3A_325 = arith.constant 128 : i32
        %mul3A_326 = arith.muli %add3A_192, %mul3A_325 : i32
        %add3A_327 = arith.constant 96 : i32
        %add3A_328 = arith.addi %mul3A_326, %add3A_327 : i32
        %get3A_329 = arith.index_cast %add3A_328 : i32 to index
        %get3A_330 = tpu.vector_load %arg7[%get3A_329] {strides = array<i32>} : memref<10112xi32, #tpu.memory_space<vmem>>, vector<16xi32>,
        %get3A_331 = vector.shape_cast %get3A_330 : vector<16xi32> to vector<16xi32>
        %swap3A_332 = arith.constant 96 : index
        %swap3A_333 = tpu.vector_load %arg9[%swap3A_332] {strides = array<i32>} : memref<128xi32, #tpu.memory_space<vmem>>, vector<16xi32>,
        %swap3A_334 = vector.shape_cast %swap3A_333 : vector<16xi32> to vector<16xi32>
        %swap3A_335 = vector.shape_cast %get3A_331 : vector<16xi32> to vector<16xi32>
        tpu.vector_store %arg9[%swap3A_332], %swap3A_335 {strides = array<i32>} : memref<128xi32, #tpu.memory_space<vmem>>, vector<16xi32>,
        %mul3A_336 = arith.constant 128 : i32
        %mul3A_337 = arith.muli %add3A_192, %mul3A_336 : i32
        %add3A_338 = arith.constant 96 : i32
        %add3A_339 = arith.addi %mul3A_337, %add3A_338 : i32
        %get3A_340 = arith.index_cast %add3A_339 : i32 to index
        %get3A_341 = tpu.vector_load %arg8[%get3A_340] {strides = array<i32>} : memref<10112xi32, #tpu.memory_space<vmem>>, vector<16xi32>,
        %get3A_342 = vector.shape_cast %get3A_341 : vector<16xi32> to vector<16xi32>
        %swap3A_343 = arith.constant 96 : index
        %swap3A_344 = tpu.vector_load %arg10[%swap3A_343] {strides = array<i32>} : memref<128xi32, #tpu.memory_space<vmem>>, vector<16xi32>,
        %swap3A_345 = vector.shape_cast %swap3A_344 : vector<16xi32> to vector<16xi32>
        %swap3A_346 = vector.shape_cast %get3A_342 : vector<16xi32> to vector<16xi32>
        tpu.vector_store %arg10[%swap3A_343], %swap3A_346 {strides = array<i32>} : memref<128xi32, #tpu.memory_space<vmem>>, vector<16xi32>,
        %mul3A_347 = arith.constant 128 : i32
        %mul3A_348 = arith.muli %add3A_192, %mul3A_347 : i32
        %add3A_349 = arith.constant 112 : i32
        %add3A_350 = arith.addi %mul3A_348, %add3A_349 : i32
        %get3A_351 = arith.index_cast %add3A_350 : i32 to index
        %get3A_352 = tpu.vector_load %arg7[%get3A_351] {strides = array<i32>} : memref<10112xi32, #tpu.memory_space<vmem>>, vector<16xi32>,
        %get3A_353 = vector.shape_cast %get3A_352 : vector<16xi32> to vector<16xi32>
        %swap3A_354 = arith.constant 112 : index
        %swap3A_355 = tpu.vector_load %arg9[%swap3A_354] {strides = array<i32>} : memref<128xi32, #tpu.memory_space<vmem>>, vector<16xi32>,
        %swap3A_356 = vector.shape_cast %swap3A_355 : vector<16xi32> to vector<16xi32>
        %swap3A_357 = vector.shape_cast %get3A_353 : vector<16xi32> to vector<16xi32>
        tpu.vector_store %arg9[%swap3A_354], %swap3A_357 {strides = array<i32>} : memref<128xi32, #tpu.memory_space<vmem>>, vector<16xi32>,
        %mul3A_358 = arith.constant 128 : i32
        %mul3A_359 = arith.muli %add3A_192, %mul3A_358 : i32
        %add3A_360 = arith.constant 112 : i32
        %add3A_361 = arith.addi %mul3A_359, %add3A_360 : i32
        %get3A_362 = arith.index_cast %add3A_361 : i32 to index
        %get3A_363 = tpu.vector_load %arg8[%get3A_362] {strides = array<i32>} : memref<10112xi32, #tpu.memory_space<vmem>>, vector<16xi32>,
        %get3A_364 = vector.shape_cast %get3A_363 : vector<16xi32> to vector<16xi32>
        %swap3A_365 = arith.constant 112 : index
        %swap3A_366 = tpu.vector_load %arg10[%swap3A_365] {strides = array<i32>} : memref<128xi32, #tpu.memory_space<vmem>>, vector<16xi32>,
        %swap3A_367 = vector.shape_cast %swap3A_366 : vector<16xi32> to vector<16xi32>
        %swap3A_368 = vector.shape_cast %get3A_364 : vector<16xi32> to vector<16xi32>
        tpu.vector_store %arg10[%swap3A_365], %swap3A_368 {strides = array<i32>} : memref<128xi32, #tpu.memory_space<vmem>>, vector<16xi32>,
        %sub3A = arith.constant 1 : i32
        %sub3A_369 = arith.subi %sub3A, %rem3A_143 : i32
        %mul3A_370 = arith.constant 128 : i32
        %mul3A_371 = arith.muli %sub3A_369, %mul3A_370 : i32
        %multiple_of3A_372 = tpu.assume_multiple %mul3A_371, 128 : i32
        %dma_start3A_373 = arith.constant 0 : i32
        %dma_start3A_374 = tpu.memref_slice %arg11[%multiple_of3A_372, %dma_start3A_373] : memref<256x128xf32, #tpu.memory_space<vmem>> -> memref<128x128xf32, #tpu.memory_space<vmem>>
        %dma_start3A_375 = arith.constant 0 : i32
        %dma_start3A_376 = arith.constant 0 : i32
        %dma_start3A_377 = tpu.memref_slice %arg2[%dma_start3A_375, %dma_start3A_376] : memref<10000x128xf32, #tpu.memory_space<hbm>> -> memref<10000x128xf32, #tpu.memory_space<hbm>>
        tpu.enqueue_indirect_dma source(%dma_start3A_377 : memref<10000x128xf32, #tpu.memory_space<hbm>>) target(%dma_start3A_374 : memref<128x128xf32, #tpu.memory_space<vmem>>) offsets(%arg9 : memref<128xi32, #tpu.memory_space<vmem>>) semaphore(%arg13 : memref<!tpu.dma_semaphore, #tpu.memory_space<semaphore_mem>>)
        %mul3A_378 = arith.constant 128 : i32
        %mul3A_379 = arith.muli %sub3A_369, %mul3A_378 : i32
        %multiple_of3A_380 = tpu.assume_multiple %mul3A_379, 128 : i32
        %dma_start3A_381 = arith.constant 0 : i32
        %dma_start3A_382 = tpu.memref_slice %arg12[%multiple_of3A_380, %dma_start3A_381] : memref<256x128xf32, #tpu.memory_space<vmem>> -> memref<128x128xf32, #tpu.memory_space<vmem>>
        %dma_start3A_383 = arith.constant 0 : i32
        %dma_start3A_384 = arith.constant 0 : i32
        %dma_start3A_385 = tpu.memref_slice %arg3[%dma_start3A_383, %dma_start3A_384] : memref<10000x128xf32, #tpu.memory_space<hbm>> -> memref<10000x128xf32, #tpu.memory_space<hbm>>
        tpu.enqueue_indirect_dma source(%dma_start3A_385 : memref<10000x128xf32, #tpu.memory_space<hbm>>) target(%dma_start3A_382 : memref<128x128xf32, #tpu.memory_space<vmem>>) offsets(%arg10 : memref<128xi32, #tpu.memory_space<vmem>>) semaphore(%arg14 : memref<!tpu.dma_semaphore, #tpu.memory_space<semaphore_mem>>)
      } else {
      }
      %mul3A_168 = arith.constant 128 : i32
      %mul3A_169 = arith.muli %rem3A_143, %mul3A_168 : i32
      %multiple_of3A_170 = tpu.assume_multiple %mul3A_169, 128 : i32
      %scan3A_171 = arith.constant 0 : i32
      %scan3A_172 = arith.constant 0 : i32
      %scan3A_173 = arith.constant 128 : i32
      %scan3A_174 = arith.addi %scan3A_172, %scan3A_173 : i32
      %scan3A_175 = arith.constant 2 : i32
      scf.for %scan3A_191 = %scan3A_172 to %scan3A_174 step %scan3A_175  : i32 {
        %add3A_192 = arith.addi %multiple_of3A_170, %scan3A_191 : i32
        %add3A_193 = arith.addi %multiple_of3A_170, %scan3A_191 : i32
        %get3A_194 = arith.index_cast %add3A_193 : i32 to index
        %get3A_195 = arith.constant 0 : index
        %get3A_196 = tpu.vector_load %arg12[%get3A_194, %get3A_195] {strides = array<i32>} : memref<256x128xf32, #tpu.memory_space<vmem>>, vector<1x16xf32>,
        %get3A_197 = vector.shape_cast %get3A_196 : vector<1x16xf32> to vector<16xf32>
        %swap3A_198 = arith.index_cast %add3A_192 : i32 to index
        %swap3A_199 = arith.constant 0 : index
        %swap3A_200 = tpu.vector_load %arg11[%swap3A_198, %swap3A_199] {strides = array<i32>} : memref<256x128xf32, #tpu.memory_space<vmem>>, vector<1x16xf32>,
        %swap3A_201 = vector.shape_cast %swap3A_200 : vector<1x16xf32> to vector<16xf32>
        %swap3A_202 = vector.shape_cast %get3A_197 : vector<16xf32> to vector<1x16xf32>
        tpu.vector_store %arg11[%swap3A_198, %swap3A_199], %swap3A_202 {add = true, strides = array<i32>} : memref<256x128xf32, #tpu.memory_space<vmem>>, vector<1x16xf32>,
        %add3A_203 = arith.addi %multiple_of3A_170, %scan3A_191 : i32
        %add3A_204 = arith.addi %multiple_of3A_170, %scan3A_191 : i32
        %get3A_205 = arith.index_cast %add3A_204 : i32 to index
        %get3A_206 = arith.constant 16 : index
        %get3A_207 = tpu.vector_load %arg12[%get3A_205, %get3A_206] {strides = array<i32>} : memref<256x128xf32, #tpu.memory_space<vmem>>, vector<1x16xf32>,
        %get3A_208 = vector.shape_cast %get3A_207 : vector<1x16xf32> to vector<16xf32>
        %swap3A_209 = arith.index_cast %add3A_203 : i32 to index
        %swap3A_210 = arith.constant 16 : index
        %swap3A_211 = tpu.vector_load %arg11[%swap3A_209, %swap3A_210] {strides = array<i32>} : memref<256x128xf32, #tpu.memory_space<vmem>>, vector<1x16xf32>,
        %swap3A_212 = vector.shape_cast %swap3A_211 : vector<1x16xf32> to vector<16xf32>
        %swap3A_213 = vector.shape_cast %get3A_208 : vector<16xf32> to vector<1x16xf32>
        tpu.vector_store %arg11[%swap3A_209, %swap3A_210], %swap3A_213 {add = true, strides = array<i32>} : memref<256x128xf32, #tpu.memory_space<vmem>>, vector<1x16xf32>,
        %add3A_214 = arith.addi %multiple_of3A_170, %scan3A_191 : i32
        %add3A_215 = arith.addi %multiple_of3A_170, %scan3A_191 : i32
        %get3A_216 = arith.index_cast %add3A_215 : i32 to index
        %get3A_217 = arith.constant 32 : index
        %get3A_218 = tpu.vector_load %arg12[%get3A_216, %get3A_217] {strides = array<i32>} : memref<256x128xf32, #tpu.memory_space<vmem>>, vector<1x16xf32>,
        %get3A_219 = vector.shape_cast %get3A_218 : vector<1x16xf32> to vector<16xf32>
        %swap3A_220 = arith.index_cast %add3A_214 : i32 to index
        %swap3A_221 = arith.constant 32 : index
        %swap3A_222 = tpu.vector_load %arg11[%swap3A_220, %swap3A_221] {strides = array<i32>} : memref<256x128xf32, #tpu.memory_space<vmem>>, vector<1x16xf32>,
        %swap3A_223 = vector.shape_cast %swap3A_222 : vector<1x16xf32> to vector<16xf32>
        %swap3A_224 = vector.shape_cast %get3A_219 : vector<16xf32> to vector<1x16xf32>
        tpu.vector_store %arg11[%swap3A_220, %swap3A_221], %swap3A_224 {add = true, strides = array<i32>} : memref<256x128xf32, #tpu.memory_space<vmem>>, vector<1x16xf32>,
        %add3A_225 = arith.addi %multiple_of3A_170, %scan3A_191 : i32
        %add3A_226 = arith.addi %multiple_of3A_170, %scan3A_191 : i32
        %get3A_227 = arith.index_cast %add3A_226 : i32 to index
        %get3A_228 = arith.constant 48 : index
        %get3A_229 = tpu.vector_load %arg12[%get3A_227, %get3A_228] {strides = array<i32>} : memref<256x128xf32, #tpu.memory_space<vmem>>, vector<1x16xf32>,
        %get3A_230 = vector.shape_cast %get3A_229 : vector<1x16xf32> to vector<16xf32>
        %swap3A_231 = arith.index_cast %add3A_225 : i32 to index
        %swap3A_232 = arith.constant 48 : index
        %swap3A_233 = tpu.vector_load %arg11[%swap3A_231, %swap3A_232] {strides = array<i32>} : memref<256x128xf32, #tpu.memory_space<vmem>>, vector<1x16xf32>,
        %swap3A_234 = vector.shape_cast %swap3A_233 : vector<1x16xf32> to vector<16xf32>
        %swap3A_235 = vector.shape_cast %get3A_230 : vector<16xf32> to vector<1x16xf32>
        tpu.vector_store %arg11[%swap3A_231, %swap3A_232], %swap3A_235 {add = true, strides = array<i32>} : memref<256x128xf32, #tpu.memory_space<vmem>>, vector<1x16xf32>,
        %add3A_236 = arith.addi %multiple_of3A_170, %scan3A_191 : i32
        %add3A_237 = arith.addi %multiple_of3A_170, %scan3A_191 : i32
        %get3A_238 = arith.index_cast %add3A_237 : i32 to index
        %get3A_239 = arith.constant 64 : index
        %get3A_240 = tpu.vector_load %arg12[%get3A_238, %get3A_239] {strides = array<i32>} : memref<256x128xf32, #tpu.memory_space<vmem>>, vector<1x16xf32>,
        %get3A_241 = vector.shape_cast %get3A_240 : vector<1x16xf32> to vector<16xf32>
        %swap3A_242 = arith.index_cast %add3A_236 : i32 to index
        %swap3A_243 = arith.constant 64 : index
        %swap3A_244 = tpu.vector_load %arg11[%swap3A_242, %swap3A_243] {strides = array<i32>} : memref<256x128xf32, #tpu.memory_space<vmem>>, vector<1x16xf32>,
        %swap3A_245 = vector.shape_cast %swap3A_244 : vector<1x16xf32> to vector<16xf32>
        %swap3A_246 = vector.shape_cast %get3A_241 : vector<16xf32> to vector<1x16xf32>
        tpu.vector_store %arg11[%swap3A_242, %swap3A_243], %swap3A_246 {add = true, strides = array<i32>} : memref<256x128xf32, #tpu.memory_space<vmem>>, vector<1x16xf32>,
        %add3A_247 = arith.addi %multiple_of3A_170, %scan3A_191 : i32
        %add3A_248 = arith.addi %multiple_of3A_170, %scan3A_191 : i32
        %get3A_249 = arith.index_cast %add3A_248 : i32 to index
        %get3A_250 = arith.constant 80 : index
        %get3A_251 = tpu.vector_load %arg12[%get3A_249, %get3A_250] {strides = array<i32>} : memref<256x128xf32, #tpu.memory_space<vmem>>, vector<1x16xf32>,
        %get3A_252 = vector.shape_cast %get3A_251 : vector<1x16xf32> to vector<16xf32>
        %swap3A_253 = arith.index_cast %add3A_247 : i32 to index
        %swap3A_254 = arith.constant 80 : index
        %swap3A_255 = tpu.vector_load %arg11[%swap3A_253, %swap3A_254] {strides = array<i32>} : memref<256x128xf32, #tpu.memory_space<vmem>>, vector<1x16xf32>,
        %swap3A_256 = vector.shape_cast %swap3A_255 : vector<1x16xf32> to vector<16xf32>
        %swap3A_257 = vector.shape_cast %get3A_252 : vector<16xf32> to vector<1x16xf32>
        tpu.vector_store %arg11[%swap3A_253, %swap3A_254], %swap3A_257 {add = true, strides = array<i32>} : memref<256x128xf32, #tpu.memory_space<vmem>>, vector<1x16xf32>,
        %add3A_258 = arith.addi %multiple_of3A_170, %scan3A_191 : i32
        %add3A_259 = arith.addi %multiple_of3A_170, %scan3A_191 : i32
        %get3A_260 = arith.index_cast %add3A_259 : i32 to index
        %get3A_261 = arith.constant 96 : index
        %get3A_262 = tpu.vector_load %arg12[%get3A_260, %get3A_261] {strides = array<i32>} : memref<256x128xf32, #tpu.memory_space<vmem>>, vector<1x16xf32>,
        %get3A_263 = vector.shape_cast %get3A_262 : vector<1x16xf32> to vector<16xf32>
        %swap3A_264 = arith.index_cast %add3A_258 : i32 to index
        %swap3A_265 = arith.constant 96 : index
        %swap3A_266 = tpu.vector_load %arg11[%swap3A_264, %swap3A_265] {strides = array<i32>} : memref<256x128xf32, #tpu.memory_space<vmem>>, vector<1x16xf32>,
        %swap3A_267 = vector.shape_cast %swap3A_266 : vector<1x16xf32> to vector<16xf32>
        %swap3A_268 = vector.shape_cast %get3A_263 : vector<16xf32> to vector<1x16xf32>
        tpu.vector_store %arg11[%swap3A_264, %swap3A_265], %swap3A_268 {add = true, strides = array<i32>} : memref<256x128xf32, #tpu.memory_space<vmem>>, vector<1x16xf32>,
        %add3A_269 = arith.addi %multiple_of3A_170, %scan3A_191 : i32
        %add3A_270 = arith.addi %multiple_of3A_170, %scan3A_191 : i32
        %get3A_271 = arith.index_cast %add3A_270 : i32 to index
        %get3A_272 = arith.constant 112 : index
        %get3A_273 = tpu.vector_load %arg12[%get3A_271, %get3A_272] {strides = array<i32>} : memref<256x128xf32, #tpu.memory_space<vmem>>, vector<1x16xf32>,
        %get3A_274 = vector.shape_cast %get3A_273 : vector<1x16xf32> to vector<16xf32>
        %swap3A_275 = arith.index_cast %add3A_269 : i32 to index
        %swap3A_276 = arith.constant 112 : index
        %swap3A_277 = tpu.vector_load %arg11[%swap3A_275, %swap3A_276] {strides = array<i32>} : memref<256x128xf32, #tpu.memory_space<vmem>>, vector<1x16xf32>,
        %swap3A_278 = vector.shape_cast %swap3A_277 : vector<1x16xf32> to vector<16xf32>
        %swap3A_279 = vector.shape_cast %get3A_274 : vector<16xf32> to vector<1x16xf32>
        tpu.vector_store %arg11[%swap3A_275, %swap3A_276], %swap3A_279 {add = true, strides = array<i32>} : memref<256x128xf32, #tpu.memory_space<vmem>>, vector<1x16xf32>,
        %scan3A_280 = arith.constant 1 : i32
        %scan3A_281 = arith.addi %scan3A_191, %scan3A_280 : i32
        %add3A_282 = arith.addi %multiple_of3A_170, %scan3A_281 : i32
        %add3A_283 = arith.addi %multiple_of3A_170, %scan3A_281 : i32
        %get3A_284 = arith.index_cast %add3A_283 : i32 to index
        %get3A_285 = arith.constant 0 : index
        %get3A_286 = tpu.vector_load %arg12[%get3A_284, %get3A_285] {strides = array<i32>} : memref<256x128xf32, #tpu.memory_space<vmem>>, vector<1x16xf32>,
        %get3A_287 = vector.shape_cast %get3A_286 : vector<1x16xf32> to vector<16xf32>
        %swap3A_288 = arith.index_cast %add3A_282 : i32 to index
        %swap3A_289 = arith.constant 0 : index
        %swap3A_290 = tpu.vector_load %arg11[%swap3A_288, %swap3A_289] {strides = array<i32>} : memref<256x128xf32, #tpu.memory_space<vmem>>, vector<1x16xf32>,
        %swap3A_291 = vector.shape_cast %swap3A_290 : vector<1x16xf32> to vector<16xf32>
        %swap3A_292 = vector.shape_cast %get3A_287 : vector<16xf32> to vector<1x16xf32>
        tpu.vector_store %arg11[%swap3A_288, %swap3A_289], %swap3A_292 {add = true, strides = array<i32>} : memref<256x128xf32, #tpu.memory_space<vmem>>, vector<1x16xf32>,
        %add3A_293 = arith.addi %multiple_of3A_170, %scan3A_281 : i32
        %add3A_294 = arith.addi %multiple_of3A_170, %scan3A_281 : i32
        %get3A_295 = arith.index_cast %add3A_294 : i32 to index
        %get3A_296 = arith.constant 16 : index
        %get3A_297 = tpu.vector_load %arg12[%get3A_295, %get3A_296] {strides = array<i32>} : memref<256x128xf32, #tpu.memory_space<vmem>>, vector<1x16xf32>,
        %get3A_298 = vector.shape_cast %get3A_297 : vector<1x16xf32> to vector<16xf32>
        %swap3A_299 = arith.index_cast %add3A_293 : i32 to index
        %swap3A_300 = arith.constant 16 : index
        %swap3A_301 = tpu.vector_load %arg11[%swap3A_299, %swap3A_300] {strides = array<i32>} : memref<256x128xf32, #tpu.memory_space<vmem>>, vector<1x16xf32>,
        %swap3A_302 = vector.shape_cast %swap3A_301 : vector<1x16xf32> to vector<16xf32>
        %swap3A_303 = vector.shape_cast %get3A_298 : vector<16xf32> to vector<1x16xf32>
        tpu.vector_store %arg11[%swap3A_299, %swap3A_300], %swap3A_303 {add = true, strides = array<i32>} : memref<256x128xf32, #tpu.memory_space<vmem>>, vector<1x16xf32>,
        %add3A_304 = arith.addi %multiple_of3A_170, %scan3A_281 : i32
        %add3A_305 = arith.addi %multiple_of3A_170, %scan3A_281 : i32
        %get3A_306 = arith.index_cast %add3A_305 : i32 to index
        %get3A_307 = arith.constant 32 : index
        %get3A_308 = tpu.vector_load %arg12[%get3A_306, %get3A_307] {strides = array<i32>} : memref<256x128xf32, #tpu.memory_space<vmem>>, vector<1x16xf32>,
        %get3A_309 = vector.shape_cast %get3A_308 : vector<1x16xf32> to vector<16xf32>
        %swap3A_310 = arith.index_cast %add3A_304 : i32 to index
        %swap3A_311 = arith.constant 32 : index
        %swap3A_312 = tpu.vector_load %arg11[%swap3A_310, %swap3A_311] {strides = array<i32>} : memref<256x128xf32, #tpu.memory_space<vmem>>, vector<1x16xf32>,
        %swap3A_313 = vector.shape_cast %swap3A_312 : vector<1x16xf32> to vector<16xf32>
        %swap3A_314 = vector.shape_cast %get3A_309 : vector<16xf32> to vector<1x16xf32>
        tpu.vector_store %arg11[%swap3A_310, %swap3A_311], %swap3A_314 {add = true, strides = array<i32>} : memref<256x128xf32, #tpu.memory_space<vmem>>, vector<1x16xf32>,
        %add3A_315 = arith.addi %multiple_of3A_170, %scan3A_281 : i32
        %add3A_316 = arith.addi %multiple_of3A_170, %scan3A_281 : i32
        %get3A_317 = arith.index_cast %add3A_316 : i32 to index
        %get3A_318 = arith.constant 48 : index
        %get3A_319 = tpu.vector_load %arg12[%get3A_317, %get3A_318] {strides = array<i32>} : memref<256x128xf32, #tpu.memory_space<vmem>>, vector<1x16xf32>,
        %get3A_320 = vector.shape_cast %get3A_319 : vector<1x16xf32> to vector<16xf32>
        %swap3A_321 = arith.index_cast %add3A_315 : i32 to index
        %swap3A_322 = arith.constant 48 : index
        %swap3A_323 = tpu.vector_load %arg11[%swap3A_321, %swap3A_322] {strides = array<i32>} : memref<256x128xf32, #tpu.memory_space<vmem>>, vector<1x16xf32>,
        %swap3A_324 = vector.shape_cast %swap3A_323 : vector<1x16xf32> to vector<16xf32>
        %swap3A_325 = vector.shape_cast %get3A_320 : vector<16xf32> to vector<1x16xf32>
        tpu.vector_store %arg11[%swap3A_321, %swap3A_322], %swap3A_325 {add = true, strides = array<i32>} : memref<256x128xf32, #tpu.memory_space<vmem>>, vector<1x16xf32>,
        %add3A_326 = arith.addi %multiple_of3A_170, %scan3A_281 : i32
        %add3A_327 = arith.addi %multiple_of3A_170, %scan3A_281 : i32
        %get3A_328 = arith.index_cast %add3A_327 : i32 to index
        %get3A_329 = arith.constant 64 : index
        %get3A_330 = tpu.vector_load %arg12[%get3A_328, %get3A_329] {strides = array<i32>} : memref<256x128xf32, #tpu.memory_space<vmem>>, vector<1x16xf32>,
        %get3A_331 = vector.shape_cast %get3A_330 : vector<1x16xf32> to vector<16xf32>
        %swap3A_332 = arith.index_cast %add3A_326 : i32 to index
        %swap3A_333 = arith.constant 64 : index
        %swap3A_334 = tpu.vector_load %arg11[%swap3A_332, %swap3A_333] {strides = array<i32>} : memref<256x128xf32, #tpu.memory_space<vmem>>, vector<1x16xf32>,
        %swap3A_335 = vector.shape_cast %swap3A_334 : vector<1x16xf32> to vector<16xf32>
        %swap3A_336 = vector.shape_cast %get3A_331 : vector<16xf32> to vector<1x16xf32>
        tpu.vector_store %arg11[%swap3A_332, %swap3A_333], %swap3A_336 {add = true, strides = array<i32>} : memref<256x128xf32, #tpu.memory_space<vmem>>, vector<1x16xf32>,
        %add3A_337 = arith.addi %multiple_of3A_170, %scan3A_281 : i32
        %add3A_338 = arith.addi %multiple_of3A_170, %scan3A_281 : i32
        %get3A_339 = arith.index_cast %add3A_338 : i32 to index
        %get3A_340 = arith.constant 80 : index
        %get3A_341 = tpu.vector_load %arg12[%get3A_339, %get3A_340] {strides = array<i32>} : memref<256x128xf32, #tpu.memory_space<vmem>>, vector<1x16xf32>,
        %get3A_342 = vector.shape_cast %get3A_341 : vector<1x16xf32> to vector<16xf32>
        %swap3A_343 = arith.index_cast %add3A_337 : i32 to index
        %swap3A_344 = arith.constant 80 : index
        %swap3A_345 = tpu.vector_load %arg11[%swap3A_343, %swap3A_344] {strides = array<i32>} : memref<256x128xf32, #tpu.memory_space<vmem>>, vector<1x16xf32>,
        %swap3A_346 = vector.shape_cast %swap3A_345 : vector<1x16xf32> to vector<16xf32>
        %swap3A_347 = vector.shape_cast %get3A_342 : vector<16xf32> to vector<1x16xf32>
        tpu.vector_store %arg11[%swap3A_343, %swap3A_344], %swap3A_347 {add = true, strides = array<i32>} : memref<256x128xf32, #tpu.memory_space<vmem>>, vector<1x16xf32>,
        %add3A_348 = arith.addi %multiple_of3A_170, %scan3A_281 : i32
        %add3A_349 = arith.addi %multiple_of3A_170, %scan3A_281 : i32
        %get3A_350 = arith.index_cast %add3A_349 : i32 to index
        %get3A_351 = arith.constant 96 : index
        %get3A_352 = tpu.vector_load %arg12[%get3A_350, %get3A_351] {strides = array<i32>} : memref<256x128xf32, #tpu.memory_space<vmem>>, vector<1x16xf32>,
        %get3A_353 = vector.shape_cast %get3A_352 : vector<1x16xf32> to vector<16xf32>
        %swap3A_354 = arith.index_cast %add3A_348 : i32 to index
        %swap3A_355 = arith.constant 96 : index
        %swap3A_356 = tpu.vector_load %arg11[%swap3A_354, %swap3A_355] {strides = array<i32>} : memref<256x128xf32, #tpu.memory_space<vmem>>, vector<1x16xf32>,
        %swap3A_357 = vector.shape_cast %swap3A_356 : vector<1x16xf32> to vector<16xf32>
        %swap3A_358 = vector.shape_cast %get3A_353 : vector<16xf32> to vector<1x16xf32>
        tpu.vector_store %arg11[%swap3A_354, %swap3A_355], %swap3A_358 {add = true, strides = array<i32>} : memref<256x128xf32, #tpu.memory_space<vmem>>, vector<1x16xf32>,
        %add3A_359 = arith.addi %multiple_of3A_170, %scan3A_281 : i32
        %add3A_360 = arith.addi %multiple_of3A_170, %scan3A_281 : i32
        %get3A_361 = arith.index_cast %add3A_360 : i32 to index
        %get3A_362 = arith.constant 112 : index
        %get3A_363 = tpu.vector_load %arg12[%get3A_361, %get3A_362] {strides = array<i32>} : memref<256x128xf32, #tpu.memory_space<vmem>>, vector<1x16xf32>,
        %get3A_364 = vector.shape_cast %get3A_363 : vector<1x16xf32> to vector<16xf32>
        %swap3A_365 = arith.index_cast %add3A_359 : i32 to index
        %swap3A_366 = arith.constant 112 : index
        %swap3A_367 = tpu.vector_load %arg11[%swap3A_365, %swap3A_366] {strides = array<i32>} : memref<256x128xf32, #tpu.memory_space<vmem>>, vector<1x16xf32>,
        %swap3A_368 = vector.shape_cast %swap3A_367 : vector<1x16xf32> to vector<16xf32>
        %swap3A_369 = vector.shape_cast %get3A_364 : vector<16xf32> to vector<1x16xf32>
        tpu.vector_store %arg11[%swap3A_365, %swap3A_366], %swap3A_369 {add = true, strides = array<i32>} : memref<256x128xf32, #tpu.memory_space<vmem>>, vector<1x16xf32>,
      }
      %scan3A_176 = arith.constant 128 : i32
      %mul3A_177 = arith.constant 128 : i32
      %mul3A_178 = arith.muli %rem3A_143, %mul3A_177 : i32
      %multiple_of3A_179 = tpu.assume_multiple %mul3A_178, 128 : i32
      %mul3A_180 = arith.constant 128 : i32
      %mul3A_181 = arith.muli %scan3A_142, %mul3A_180 : i32
      %add3A_182 = arith.addi %mul3A_2, %mul3A_181 : i32
      %dma_start3A_183 = arith.constant 0 : i32
      %dma_start3A_184 = tpu.memref_slice %arg11[%multiple_of3A_179, %dma_start3A_183] : memref<256x128xf32, #tpu.memory_space<vmem>> -> memref<128x128xf32, #tpu.memory_space<vmem>>
      %dma_start3A_185 = arith.constant 0 : i32
      %dma_start3A_186 = tpu.memref_slice %arg6[%add3A_182, %dma_start3A_185] : memref<323584x128xf32, #tpu.memory_space<hbm>> -> memref<128x128xf32, #tpu.memory_space<hbm>>
      %dma_start3A_187 = arith.constant 0 : i32
      %dma_start3A_188 = tpu.memref_slice %arg6[%add3A_182, %dma_start3A_187] : memref<323584x128xf32, #tpu.memory_space<hbm>> -> memref<128x128xf32, #tpu.memory_space<hbm>>
      %dma_start3A_189 = arith.constant 0 : i32
      %dma_start3A_190 = tpu.memref_slice %arg11[%multiple_of3A_179, %dma_start3A_189] : memref<256x128xf32, #tpu.memory_space<vmem>> -> memref<128x128xf32, #tpu.memory_space<vmem>>
      tpu.enqueue_dma source(%dma_start3A_190 : memref<128x128xf32, #tpu.memory_space<vmem>>) target(%dma_start3A_188 : memref<128x128xf32, #tpu.memory_space<hbm>>) target_semaphore(%arg15 : memref<!tpu.dma_semaphore, #tpu.memory_space<semaphore_mem>>)
    }
    %scan3A_130 = arith.constant 79 : i32
    %multiple_of3A_131 = arith.constant 0 : i32
    %multiple_of3A_132 = tpu.assume_multiple %multiple_of3A_131, 128 : i32
    %add3A_133 = arith.constant 9984 : i32
    %add3A_134 = arith.addi %mul3A_2, %add3A_133 : i32
    %dma_wait3A = arith.constant 0 : i32
    %dma_wait3A_135 = tpu.memref_slice %arg11[%multiple_of3A_132, %dma_wait3A] : memref<256x128xf32, #tpu.memory_space<vmem>> -> memref<128x128xf32, #tpu.memory_space<vmem>>
    %dma_wait3A_136 = arith.constant 0 : i32
    %dma_wait3A_137 = tpu.memref_slice %arg6[%add3A_134, %dma_wait3A_136] : memref<323584x128xf32, #tpu.memory_space<hbm>> -> memref<128x128xf32, #tpu.memory_space<hbm>>
    %dma_wait3A_138 = arith.constant 0 : i32
    %dma_wait3A_139 = tpu.memref_slice %arg6[%add3A_134, %dma_wait3A_138] : memref<323584x128xf32, #tpu.memory_space<hbm>> -> memref<128x128xf32, #tpu.memory_space<hbm>>
    %dma_wait3A_140 = arith.constant 0 : i32
    %dma_wait3A_141 = tpu.memref_slice %arg11[%multiple_of3A_132, %dma_wait3A_140] : memref<256x128xf32, #tpu.memory_space<vmem>> -> memref<128x128xf32, #tpu.memory_space<vmem>>
    tpu.wait_dma2 semaphore(%arg15 : memref<!tpu.dma_semaphore, #tpu.memory_space<semaphore_mem>>) src(%dma_wait3A_141 : memref<128x128xf32, #tpu.memory_space<vmem>>) dst(%dma_wait3A_139 : memref<128x128xf32, #tpu.memory_space<hbm>>)
    return
  }
}

#map = affine_map<(d0, d1) -> (0, 0)>
#map1 = affine_map<(d0, d1) -> (0)>
#map2 = affine_map<(d0, d1) -> (0, 0, 0)>
module attributes {stable_mosaic.version = 14 : i64} {
  func.func @_scatter_add(%arg0: i32, %arg1: i32, %arg2: memref<323584x128xf32, #tpu.memory_space<hbm>>, %arg3: memref<323584xi32, #tpu.memory_space<hbm>>, %arg4: memref<2x10240x128xf32, #tpu.memory_space<hbm>>, %arg5: memref<128xi32, #tpu.memory_space<vmem>>, %arg6: memref<256x128xf32, #tpu.memory_space<vmem>>, %arg7: memref<!tpu.dma_semaphore, #tpu.memory_space<semaphore_mem>>, %arg8: memref<10240x128xf32, #tpu.memory_space<vmem_shared>>) attributes {dimension_semantics = [#tpu.dimension_semantics<core_parallel>, #tpu.dimension_semantics<subcore_parallel>], iteration_bounds = array<i64: 2, 16>, scalar_prefetch = 0 : i64, scratch_operands = 4 : i64, tpu.core_type = #tpu.core_type<sc_vector_subcore>, window_params = [{transform_indices = #map}, {transform_indices = #map1}, {transform_indices = #map2}]} {
    %mul3A = arith.constant 16 : i32
    %mul3A_0 = arith.muli %arg0, %mul3A : i32
    %add3A = arith.addi %mul3A_0, %arg1 : i32
    %mul3A_1 = arith.constant 10112 : i32
    %mul3A_2 = arith.muli %add3A, %mul3A_1 : i32
    %scan3A = arith.constant 0 : i32
    %scan3A_3 = arith.constant 0 : i32
    %scan3A_4 = arith.constant 128 : i32
    %scan3A_5 = arith.addi %scan3A_3, %scan3A_4 : i32
    %scan3A_6 = arith.constant 1 : i32
    scf.for %scan3A_33 = %scan3A_3 to %scan3A_5 step %scan3A_6  : i32 {
      %broadcast_in_dim3A = arith.constant 0.000000e+00 : f32
      %broadcast_in_dim3A_34 = vector.broadcast %broadcast_in_dim3A : f32 to vector<16xf32>
      %swap3A = arith.index_cast %scan3A_33 : i32 to index
      %swap3A_35 = arith.constant 0 : index
      %swap3A_36 = tpu.vector_load %arg6[%swap3A, %swap3A_35] {strides = array<i32>} : memref<256x128xf32, #tpu.memory_space<vmem>>, vector<1x16xf32>,
      %swap3A_37 = vector.shape_cast %swap3A_36 : vector<1x16xf32> to vector<16xf32>
      %swap3A_38 = vector.shape_cast %broadcast_in_dim3A_34 : vector<16xf32> to vector<1x16xf32>
      tpu.vector_store %arg6[%swap3A, %swap3A_35], %swap3A_38 {strides = array<i32>} : memref<256x128xf32, #tpu.memory_space<vmem>>, vector<1x16xf32>,
      %broadcast_in_dim3A_39 = arith.constant 0.000000e+00 : f32
      %broadcast_in_dim3A_40 = vector.broadcast %broadcast_in_dim3A_39 : f32 to vector<16xf32>
      %swap3A_41 = arith.index_cast %scan3A_33 : i32 to index
      %swap3A_42 = arith.constant 16 : index
      %swap3A_43 = tpu.vector_load %arg6[%swap3A_41, %swap3A_42] {strides = array<i32>} : memref<256x128xf32, #tpu.memory_space<vmem>>, vector<1x16xf32>,
      %swap3A_44 = vector.shape_cast %swap3A_43 : vector<1x16xf32> to vector<16xf32>
      %swap3A_45 = vector.shape_cast %broadcast_in_dim3A_40 : vector<16xf32> to vector<1x16xf32>
      tpu.vector_store %arg6[%swap3A_41, %swap3A_42], %swap3A_45 {strides = array<i32>} : memref<256x128xf32, #tpu.memory_space<vmem>>, vector<1x16xf32>,
      %broadcast_in_dim3A_46 = arith.constant 0.000000e+00 : f32
      %broadcast_in_dim3A_47 = vector.broadcast %broadcast_in_dim3A_46 : f32 to vector<16xf32>
      %swap3A_48 = arith.index_cast %scan3A_33 : i32 to index
      %swap3A_49 = arith.constant 32 : index
      %swap3A_50 = tpu.vector_load %arg6[%swap3A_48, %swap3A_49] {strides = array<i32>} : memref<256x128xf32, #tpu.memory_space<vmem>>, vector<1x16xf32>,
      %swap3A_51 = vector.shape_cast %swap3A_50 : vector<1x16xf32> to vector<16xf32>
      %swap3A_52 = vector.shape_cast %broadcast_in_dim3A_47 : vector<16xf32> to vector<1x16xf32>
      tpu.vector_store %arg6[%swap3A_48, %swap3A_49], %swap3A_52 {strides = array<i32>} : memref<256x128xf32, #tpu.memory_space<vmem>>, vector<1x16xf32>,
      %broadcast_in_dim3A_53 = arith.constant 0.000000e+00 : f32
      %broadcast_in_dim3A_54 = vector.broadcast %broadcast_in_dim3A_53 : f32 to vector<16xf32>
      %swap3A_55 = arith.index_cast %scan3A_33 : i32 to index
      %swap3A_56 = arith.constant 48 : index
      %swap3A_57 = tpu.vector_load %arg6[%swap3A_55, %swap3A_56] {strides = array<i32>} : memref<256x128xf32, #tpu.memory_space<vmem>>, vector<1x16xf32>,
      %swap3A_58 = vector.shape_cast %swap3A_57 : vector<1x16xf32> to vector<16xf32>
      %swap3A_59 = vector.shape_cast %broadcast_in_dim3A_54 : vector<16xf32> to vector<1x16xf32>
      tpu.vector_store %arg6[%swap3A_55, %swap3A_56], %swap3A_59 {strides = array<i32>} : memref<256x128xf32, #tpu.memory_space<vmem>>, vector<1x16xf32>,
      %broadcast_in_dim3A_60 = arith.constant 0.000000e+00 : f32
      %broadcast_in_dim3A_61 = vector.broadcast %broadcast_in_dim3A_60 : f32 to vector<16xf32>
      %swap3A_62 = arith.index_cast %scan3A_33 : i32 to index
      %swap3A_63 = arith.constant 64 : index
      %swap3A_64 = tpu.vector_load %arg6[%swap3A_62, %swap3A_63] {strides = array<i32>} : memref<256x128xf32, #tpu.memory_space<vmem>>, vector<1x16xf32>,
      %swap3A_65 = vector.shape_cast %swap3A_64 : vector<1x16xf32> to vector<16xf32>
      %swap3A_66 = vector.shape_cast %broadcast_in_dim3A_61 : vector<16xf32> to vector<1x16xf32>
      tpu.vector_store %arg6[%swap3A_62, %swap3A_63], %swap3A_66 {strides = array<i32>} : memref<256x128xf32, #tpu.memory_space<vmem>>, vector<1x16xf32>,
      %broadcast_in_dim3A_67 = arith.constant 0.000000e+00 : f32
      %broadcast_in_dim3A_68 = vector.broadcast %broadcast_in_dim3A_67 : f32 to vector<16xf32>
      %swap3A_69 = arith.index_cast %scan3A_33 : i32 to index
      %swap3A_70 = arith.constant 80 : index
      %swap3A_71 = tpu.vector_load %arg6[%swap3A_69, %swap3A_70] {strides = array<i32>} : memref<256x128xf32, #tpu.memory_space<vmem>>, vector<1x16xf32>,
      %swap3A_72 = vector.shape_cast %swap3A_71 : vector<1x16xf32> to vector<16xf32>
      %swap3A_73 = vector.shape_cast %broadcast_in_dim3A_68 : vector<16xf32> to vector<1x16xf32>
      tpu.vector_store %arg6[%swap3A_69, %swap3A_70], %swap3A_73 {strides = array<i32>} : memref<256x128xf32, #tpu.memory_space<vmem>>, vector<1x16xf32>,
      %broadcast_in_dim3A_74 = arith.constant 0.000000e+00 : f32
      %broadcast_in_dim3A_75 = vector.broadcast %broadcast_in_dim3A_74 : f32 to vector<16xf32>
      %swap3A_76 = arith.index_cast %scan3A_33 : i32 to index
      %swap3A_77 = arith.constant 96 : index
      %swap3A_78 = tpu.vector_load %arg6[%swap3A_76, %swap3A_77] {strides = array<i32>} : memref<256x128xf32, #tpu.memory_space<vmem>>, vector<1x16xf32>,
      %swap3A_79 = vector.shape_cast %swap3A_78 : vector<1x16xf32> to vector<16xf32>
      %swap3A_80 = vector.shape_cast %broadcast_in_dim3A_75 : vector<16xf32> to vector<1x16xf32>
      tpu.vector_store %arg6[%swap3A_76, %swap3A_77], %swap3A_80 {strides = array<i32>} : memref<256x128xf32, #tpu.memory_space<vmem>>, vector<1x16xf32>,
      %broadcast_in_dim3A_81 = arith.constant 0.000000e+00 : f32
      %broadcast_in_dim3A_82 = vector.broadcast %broadcast_in_dim3A_81 : f32 to vector<16xf32>
      %swap3A_83 = arith.index_cast %scan3A_33 : i32 to index
      %swap3A_84 = arith.constant 112 : index
      %swap3A_85 = tpu.vector_load %arg6[%swap3A_83, %swap3A_84] {strides = array<i32>} : memref<256x128xf32, #tpu.memory_space<vmem>>, vector<1x16xf32>,
      %swap3A_86 = vector.shape_cast %swap3A_85 : vector<1x16xf32> to vector<16xf32>
      %swap3A_87 = vector.shape_cast %broadcast_in_dim3A_82 : vector<16xf32> to vector<1x16xf32>
      tpu.vector_store %arg6[%swap3A_83, %swap3A_84], %swap3A_87 {strides = array<i32>} : memref<256x128xf32, #tpu.memory_space<vmem>>, vector<1x16xf32>,
    }
    %scan3A_7 = arith.constant 128 : i32
    %scan3A_8 = arith.constant 0 : i32
    %scan3A_9 = arith.constant 0 : i32
    %scan3A_10 = arith.constant 5 : i32
    %scan3A_11 = arith.addi %scan3A_9, %scan3A_10 : i32
    %scan3A_12 = arith.constant 1 : i32
    scf.for %scan3A_33 = %scan3A_9 to %scan3A_11 step %scan3A_12  : i32 {
      %mul3A_34 = arith.constant 640 : i32
      %mul3A_35 = arith.muli %arg1, %mul3A_34 : i32
      %mul3A_36 = arith.constant 128 : i32
      %mul3A_37 = arith.muli %scan3A_33, %mul3A_36 : i32
      %add3A_38 = arith.addi %mul3A_35, %mul3A_37 : i32
      "tpu.region"() ({
        %run_scoped3A = tpu.sem_alloc : memref<!tpu.dma_semaphore, #tpu.memory_space<semaphore_mem>>
        %dma_start3A_39 = arith.constant 0 : i32
        %dma_start3A_40 = arith.constant 0 : i32
        %dma_start3A_41 = tpu.memref_slice %arg6[%dma_start3A_39, %dma_start3A_40] : memref<256x128xf32, #tpu.memory_space<vmem>> -> memref<128x128xf32, #tpu.memory_space<vmem>>
        %dma_start3A_42 = arith.constant 0 : i32
        %dma_start3A_43 = tpu.memref_slice %arg8[%add3A_38, %dma_start3A_42] : memref<10240x128xf32, #tpu.memory_space<vmem_shared>> -> memref<128x128xf32, #tpu.memory_space<vmem_shared>>
        %dma_start3A_44 = arith.constant 0 : i32
        %dma_start3A_45 = tpu.memref_slice %arg8[%add3A_38, %dma_start3A_44] : memref<10240x128xf32, #tpu.memory_space<vmem_shared>> -> memref<128x128xf32, #tpu.memory_space<vmem_shared>>
        %dma_start3A_46 = arith.constant 0 : i32
        %dma_start3A_47 = arith.constant 0 : i32
        %dma_start3A_48 = tpu.memref_slice %arg6[%dma_start3A_46, %dma_start3A_47] : memref<256x128xf32, #tpu.memory_space<vmem>> -> memref<128x128xf32, #tpu.memory_space<vmem>>
        tpu.enqueue_dma source(%dma_start3A_48 : memref<128x128xf32, #tpu.memory_space<vmem>>) target(%dma_start3A_45 : memref<128x128xf32, #tpu.memory_space<vmem_shared>>) target_semaphore(%run_scoped3A : memref<!tpu.dma_semaphore, #tpu.memory_space<semaphore_mem>>)
        %dma_wait3A = arith.constant 0 : i32
        %dma_wait3A_49 = arith.constant 0 : i32
        %dma_wait3A_50 = tpu.memref_slice %arg6[%dma_wait3A, %dma_wait3A_49] : memref<256x128xf32, #tpu.memory_space<vmem>> -> memref<128x128xf32, #tpu.memory_space<vmem>>
        %dma_wait3A_51 = arith.constant 0 : i32
        %dma_wait3A_52 = tpu.memref_slice %arg8[%add3A_38, %dma_wait3A_51] : memref<10240x128xf32, #tpu.memory_space<vmem_shared>> -> memref<128x128xf32, #tpu.memory_space<vmem_shared>>
        %dma_wait3A_53 = arith.constant 0 : i32
        %dma_wait3A_54 = tpu.memref_slice %arg8[%add3A_38, %dma_wait3A_53] : memref<10240x128xf32, #tpu.memory_space<vmem_shared>> -> memref<128x128xf32, #tpu.memory_space<vmem_shared>>
        %dma_wait3A_55 = arith.constant 0 : i32
        %dma_wait3A_56 = arith.constant 0 : i32
        %dma_wait3A_57 = tpu.memref_slice %arg6[%dma_wait3A_55, %dma_wait3A_56] : memref<256x128xf32, #tpu.memory_space<vmem>> -> memref<128x128xf32, #tpu.memory_space<vmem>>
        tpu.wait_dma2 semaphore(%run_scoped3A : memref<!tpu.dma_semaphore, #tpu.memory_space<semaphore_mem>>) src(%dma_wait3A_57 : memref<128x128xf32, #tpu.memory_space<vmem>>) dst(%dma_wait3A_54 : memref<128x128xf32, #tpu.memory_space<vmem_shared>>)
        tpu.yield
      }) : () -> ()
    }
    %scan3A_13 = arith.constant 5 : i32
    %mul3A_14 = arith.constant 640 : i32
    %mul3A_15 = arith.muli %arg1, %mul3A_14 : i32
    %barrier3A = arith.constant 0 : index
    tpu.barrier barrier_id(%barrier3A)
    %add3A_16 = arith.constant 0 : i32
    %add3A_17 = arith.addi %mul3A_2, %add3A_16 : i32
    %multiple_of3A = arith.constant 0 : i32
    %multiple_of3A_18 = tpu.assume_multiple %multiple_of3A, 128 : i32
    %dma_start3A = arith.constant 0 : i32
    %dma_start3A_19 = tpu.memref_slice %arg6[%multiple_of3A_18, %dma_start3A] : memref<256x128xf32, #tpu.memory_space<vmem>> -> memref<128x128xf32, #tpu.memory_space<vmem>>
    %dma_start3A_20 = arith.constant 0 : i32
    %dma_start3A_21 = tpu.memref_slice %arg2[%add3A_17, %dma_start3A_20] : memref<323584x128xf32, #tpu.memory_space<hbm>> -> memref<128x128xf32, #tpu.memory_space<hbm>>
    %dma_start3A_22 = arith.constant 0 : i32
    %dma_start3A_23 = tpu.memref_slice %arg6[%multiple_of3A_18, %dma_start3A_22] : memref<256x128xf32, #tpu.memory_space<vmem>> -> memref<128x128xf32, #tpu.memory_space<vmem>>
    %dma_start3A_24 = arith.constant 0 : i32
    %dma_start3A_25 = tpu.memref_slice %arg2[%add3A_17, %dma_start3A_24] : memref<323584x128xf32, #tpu.memory_space<hbm>> -> memref<128x128xf32, #tpu.memory_space<hbm>>
    tpu.enqueue_dma source(%dma_start3A_25 : memref<128x128xf32, #tpu.memory_space<hbm>>) target(%dma_start3A_23 : memref<128x128xf32, #tpu.memory_space<vmem>>) target_semaphore(%arg7 : memref<!tpu.dma_semaphore, #tpu.memory_space<semaphore_mem>>)
    %scan3A_26 = arith.constant 0 : i32
    %scan3A_27 = arith.constant 0 : i32
    %scan3A_28 = arith.constant 79 : i32
    %scan3A_29 = arith.addi %scan3A_27, %scan3A_28 : i32
    %scan3A_30 = arith.constant 1 : i32
    scf.for %scan3A_33 = %scan3A_27 to %scan3A_29 step %scan3A_30  : i32 {
      %rem3A = arith.constant 2 : i32
      %rem3A_34 = arith.remsi %scan3A_33, %rem3A : i32
      %mul3A_35 = arith.constant 128 : i32
      %mul3A_36 = arith.muli %scan3A_33, %mul3A_35 : i32
      %add3A_37 = arith.addi %mul3A_2, %mul3A_36 : i32
      "tpu.region"() ({
        %run_scoped3A = tpu.sem_alloc : memref<!tpu.dma_semaphore, #tpu.memory_space<semaphore_mem>>
        %dma_start3A_58 = tpu.memref_slice %arg3[%add3A_37] : memref<323584xi32, #tpu.memory_space<hbm>> -> memref<128xi32, #tpu.memory_space<hbm>>
        %dma_start3A_59 = tpu.memref_slice %arg3[%add3A_37] : memref<323584xi32, #tpu.memory_space<hbm>> -> memref<128xi32, #tpu.memory_space<hbm>>
        tpu.enqueue_dma source(%dma_start3A_59 : memref<128xi32, #tpu.memory_space<hbm>>) target(%arg5 : memref<128xi32, #tpu.memory_space<vmem>>) target_semaphore(%run_scoped3A : memref<!tpu.dma_semaphore, #tpu.memory_space<semaphore_mem>>)
        %dma_wait3A_60 = tpu.memref_slice %arg3[%add3A_37] : memref<323584xi32, #tpu.memory_space<hbm>> -> memref<128xi32, #tpu.memory_space<hbm>>
        %dma_wait3A_61 = tpu.memref_slice %arg3[%add3A_37] : memref<323584xi32, #tpu.memory_space<hbm>> -> memref<128xi32, #tpu.memory_space<hbm>>
        tpu.wait_dma2 semaphore(%run_scoped3A : memref<!tpu.dma_semaphore, #tpu.memory_space<semaphore_mem>>) src(%dma_wait3A_61 : memref<128xi32, #tpu.memory_space<hbm>>) dst(%arg5 : memref<128xi32, #tpu.memory_space<vmem>>)
        tpu.yield
      }) : () -> ()
      %mul3A_38 = arith.constant 128 : i32
      %mul3A_39 = arith.muli %scan3A_33, %mul3A_38 : i32
      %add3A_40 = arith.addi %mul3A_2, %mul3A_39 : i32
      %mul3A_41 = arith.constant 128 : i32
      %mul3A_42 = arith.muli %rem3A_34, %mul3A_41 : i32
      %multiple_of3A_43 = tpu.assume_multiple %mul3A_42, 128 : i32
      %dma_wait3A = arith.constant 0 : i32
      %dma_wait3A_44 = tpu.memref_slice %arg6[%multiple_of3A_43, %dma_wait3A] : memref<256x128xf32, #tpu.memory_space<vmem>> -> memref<128x128xf32, #tpu.memory_space<vmem>>
      %dma_wait3A_45 = arith.constant 0 : i32
      %dma_wait3A_46 = tpu.memref_slice %arg2[%add3A_40, %dma_wait3A_45] : memref<323584x128xf32, #tpu.memory_space<hbm>> -> memref<128x128xf32, #tpu.memory_space<hbm>>
      %dma_wait3A_47 = arith.constant 0 : i32
      %dma_wait3A_48 = tpu.memref_slice %arg6[%multiple_of3A_43, %dma_wait3A_47] : memref<256x128xf32, #tpu.memory_space<vmem>> -> memref<128x128xf32, #tpu.memory_space<vmem>>
      %dma_wait3A_49 = arith.constant 0 : i32
      %dma_wait3A_50 = tpu.memref_slice %arg2[%add3A_40, %dma_wait3A_49] : memref<323584x128xf32, #tpu.memory_space<hbm>> -> memref<128x128xf32, #tpu.memory_space<hbm>>
      tpu.wait_dma2 semaphore(%arg7 : memref<!tpu.dma_semaphore, #tpu.memory_space<semaphore_mem>>) src(%dma_wait3A_50 : memref<128x128xf32, #tpu.memory_space<hbm>>) dst(%dma_wait3A_48 : memref<128x128xf32, #tpu.memory_space<vmem>>)
      %add3A_51 = arith.constant 1 : i32
      %add3A_52 = arith.addi %scan3A_33, %add3A_51 : i32
      %lt3A = arith.constant 79 : i32
      %lt3A_53 = arith.cmpi slt, %add3A_52, %lt3A : i32
      %convert_element_type3A = arith.extui %lt3A_53 : i1 to i32
      %cond3A = arith.constant 0 : i32
      %cond3A_54 = arith.cmpi ne, %convert_element_type3A, %cond3A : i32
      scf.if %cond3A_54 {
        %add3A_58 = arith.constant 1 : i32
        %add3A_59 = arith.addi %scan3A_33, %add3A_58 : i32
        %sub3A = arith.constant 1 : i32
        %sub3A_60 = arith.subi %sub3A, %rem3A_34 : i32
        %mul3A_61 = arith.constant 128 : i32
        %mul3A_62 = arith.muli %add3A_59, %mul3A_61 : i32
        %add3A_63 = arith.addi %mul3A_2, %mul3A_62 : i32
        %mul3A_64 = arith.constant 128 : i32
        %mul3A_65 = arith.muli %sub3A_60, %mul3A_64 : i32
        %multiple_of3A_66 = tpu.assume_multiple %mul3A_65, 128 : i32
        %dma_start3A_67 = arith.constant 0 : i32
        %dma_start3A_68 = tpu.memref_slice %arg6[%multiple_of3A_66, %dma_start3A_67] : memref<256x128xf32, #tpu.memory_space<vmem>> -> memref<128x128xf32, #tpu.memory_space<vmem>>
        %dma_start3A_69 = arith.constant 0 : i32
        %dma_start3A_70 = tpu.memref_slice %arg2[%add3A_63, %dma_start3A_69] : memref<323584x128xf32, #tpu.memory_space<hbm>> -> memref<128x128xf32, #tpu.memory_space<hbm>>
        %dma_start3A_71 = arith.constant 0 : i32
        %dma_start3A_72 = tpu.memref_slice %arg6[%multiple_of3A_66, %dma_start3A_71] : memref<256x128xf32, #tpu.memory_space<vmem>> -> memref<128x128xf32, #tpu.memory_space<vmem>>
        %dma_start3A_73 = arith.constant 0 : i32
        %dma_start3A_74 = tpu.memref_slice %arg2[%add3A_63, %dma_start3A_73] : memref<323584x128xf32, #tpu.memory_space<hbm>> -> memref<128x128xf32, #tpu.memory_space<hbm>>
        tpu.enqueue_dma source(%dma_start3A_74 : memref<128x128xf32, #tpu.memory_space<hbm>>) target(%dma_start3A_72 : memref<128x128xf32, #tpu.memory_space<vmem>>) target_semaphore(%arg7 : memref<!tpu.dma_semaphore, #tpu.memory_space<semaphore_mem>>)
      } else {
      }
      %mul3A_55 = arith.constant 128 : i32
      %mul3A_56 = arith.muli %rem3A_34, %mul3A_55 : i32
      %multiple_of3A_57 = tpu.assume_multiple %mul3A_56, 128 : i32
      "tpu.region"() ({
        %run_scoped3A = tpu.sem_alloc : memref<!tpu.dma_semaphore, #tpu.memory_space<semaphore_mem>>
        %dma_start3A_58 = arith.constant 0 : i32
        %dma_start3A_59 = tpu.memref_slice %arg6[%multiple_of3A_57, %dma_start3A_58] : memref<256x128xf32, #tpu.memory_space<vmem>> -> memref<128x128xf32, #tpu.memory_space<vmem>>
        %dma_start3A_60 = arith.constant 0 : i32
        %dma_start3A_61 = arith.constant 0 : i32
        %dma_start3A_62 = tpu.memref_slice %arg8[%dma_start3A_60, %dma_start3A_61] : memref<10240x128xf32, #tpu.memory_space<vmem_shared>> -> memref<10240x128xf32, #tpu.memory_space<vmem_shared>>
        tpu.enqueue_indirect_dma source(%dma_start3A_59 : memref<128x128xf32, #tpu.memory_space<vmem>>) target(%dma_start3A_62 : memref<10240x128xf32, #tpu.memory_space<vmem_shared>>) offsets(%arg5 : memref<128xi32, #tpu.memory_space<vmem>>) semaphore(%run_scoped3A : memref<!tpu.dma_semaphore, #tpu.memory_space<semaphore_mem>>) {add = true}
        %dma_wait3A_63 = arith.constant 0 : i32
        %dma_wait3A_64 = tpu.memref_slice %arg6[%multiple_of3A_57, %dma_wait3A_63] : memref<256x128xf32, #tpu.memory_space<vmem>> -> memref<128x128xf32, #tpu.memory_space<vmem>>
        %dma_wait3A_65 = arith.constant 0 : i32
        %dma_wait3A_66 = arith.constant 0 : i32
        %dma_wait3A_67 = tpu.memref_slice %arg8[%dma_wait3A_65, %dma_wait3A_66] : memref<10240x128xf32, #tpu.memory_space<vmem_shared>> -> memref<10240x128xf32, #tpu.memory_space<vmem_shared>>
        tpu.wait_indirect_dma semaphore(%run_scoped3A : memref<!tpu.dma_semaphore, #tpu.memory_space<semaphore_mem>>) src(%dma_wait3A_64 : memref<128x128xf32, #tpu.memory_space<vmem>>) dst(%dma_wait3A_67 : memref<10240x128xf32, #tpu.memory_space<vmem_shared>>)
        tpu.yield
      }) : () -> ()
    }
    %scan3A_31 = arith.constant 79 : i32
    %barrier3A_32 = arith.constant 0 : index
    tpu.barrier barrier_id(%barrier3A_32)
    "tpu.region"() ({
      %run_scoped3A = tpu.sem_alloc : memref<!tpu.dma_semaphore, #tpu.memory_space<semaphore_mem>>
      %dma_start3A_33 = arith.constant 0 : i32
      %dma_start3A_34 = tpu.memref_slice %arg4[%arg0, %mul3A_15, %dma_start3A_33] : memref<2x10240x128xf32, #tpu.memory_space<hbm>> -> memref<1x640x128xf32, #tpu.memory_space<hbm>>
      %dma_start3A_35 = tpu.memref_squeeze %dma_start3A_34 : memref<1x640x128xf32, #tpu.memory_space<hbm>> -> memref<640x128xf32, #tpu.memory_space<hbm>>
      %dma_start3A_36 = arith.constant 0 : i32
      %dma_start3A_37 = tpu.memref_slice %arg8[%mul3A_15, %dma_start3A_36] : memref<10240x128xf32, #tpu.memory_space<vmem_shared>> -> memref<640x128xf32, #tpu.memory_space<vmem_shared>>
      tpu.enqueue_dma source(%dma_start3A_37 : memref<640x128xf32, #tpu.memory_space<vmem_shared>>) target(%dma_start3A_35 : memref<640x128xf32, #tpu.memory_space<hbm>>) target_semaphore(%run_scoped3A : memref<!tpu.dma_semaphore, #tpu.memory_space<semaphore_mem>>)
      %dma_wait3A = arith.constant 0 : i32
      %dma_wait3A_38 = tpu.memref_slice %arg4[%arg0, %mul3A_15, %dma_wait3A] : memref<2x10240x128xf32, #tpu.memory_space<hbm>> -> memref<1x640x128xf32, #tpu.memory_space<hbm>>
      %dma_wait3A_39 = tpu.memref_squeeze %dma_wait3A_38 : memref<1x640x128xf32, #tpu.memory_space<hbm>> -> memref<640x128xf32, #tpu.memory_space<hbm>>
      %dma_wait3A_40 = arith.constant 0 : i32
      %dma_wait3A_41 = tpu.memref_slice %arg8[%mul3A_15, %dma_wait3A_40] : memref<10240x128xf32, #tpu.memory_space<vmem_shared>> -> memref<640x128xf32, #tpu.memory_space<vmem_shared>>
      tpu.wait_dma2 semaphore(%run_scoped3A : memref<!tpu.dma_semaphore, #tpu.memory_space<semaphore_mem>>) src(%dma_wait3A_41 : memref<640x128xf32, #tpu.memory_space<vmem_shared>>) dst(%dma_wait3A_39 : memref<640x128xf32, #tpu.memory_space<hbm>>)
      tpu.yield
    }) : () -> ()
    return
  }
}

module attributes {stable_mosaic.version = 14 : i64} {
  func.func @_pq_body(%arg0: i32, %arg1: memref<2000x128xf32, #tpu.memory_space<vmem>>, %arg2: memref<128x128xf32, #tpu.memory_space<vmem>>, %arg3: memref<128x128xf32, #tpu.memory_space<vmem>>, %arg4: memref<2000x128xf32, #tpu.memory_space<vmem>>, %arg5: memref<2000x128xf32, #tpu.memory_space<vmem>>) attributes {dimension_semantics = [#tpu.dimension_semantics<arbitrary>], iteration_bounds = array<i64: 5>, scalar_prefetch = 0 : i64, scratch_operands = 0 : i64, tpu.core_type = #tpu.core_type<tc>, window_params = [{transform_indices = @transform_0, window_bounds = array<i64: 2000, 128>}, {pipeline_mode = #tpu.pipeline_mode<synchronous>, transform_indices = @transform_1, window_bounds = array<i64: 128, 128>}, {pipeline_mode = #tpu.pipeline_mode<synchronous>, transform_indices = @transform_2, window_bounds = array<i64: 128, 128>}, {transform_indices = @transform_3, window_bounds = array<i64: 2000, 128>}, {transform_indices = @transform_4, window_bounds = array<i64: 2000, 128>}]} {
    %get3A = arith.constant 0 : index
    %get3A_0 = arith.constant 0 : index
    %get3A_1 = vector.load %arg1[%get3A, %get3A_0] : memref<2000x128xf32, #tpu.memory_space<vmem>>, vector<2000x128xf32>
    %get3A_2 = arith.constant 0 : index
    %get3A_3 = arith.constant 0 : index
    %get3A_4 = vector.load %arg2[%get3A_2, %get3A_3] : memref<128x128xf32, #tpu.memory_space<vmem>>, vector<128x128xf32>
    %dot_general3A = arith.constant dense<0.000000e+00> : vector<2000x128xf32>
    %dot_general3A_5 = tpu.matmul %get3A_1, %get3A_4, %dot_general3A {dimension_numbers = #tpu.dot_dimension_numbers<[1], [0], [0], [1], [0, 0, 1, 1], [], []>, transpose_lhs_hint = false} : vector<2000x128xf32>, vector<128x128xf32>, vector<2000x128xf32> -> vector<2000x128xf32>
    %swap3A = arith.constant 0 : index
    %swap3A_6 = arith.constant 0 : index
    %swap3A_7 = vector.load %arg4[%swap3A, %swap3A_6] : memref<2000x128xf32, #tpu.memory_space<vmem>>, vector<2000x128xf32>
    tpu.vector_store %arg4[%swap3A, %swap3A_6], %dot_general3A_5 {strides = array<i32>} : memref<2000x128xf32, #tpu.memory_space<vmem>>, vector<2000x128xf32>,
    %get3A_8 = arith.constant 0 : index
    %get3A_9 = arith.constant 0 : index
    %get3A_10 = vector.load %arg3[%get3A_8, %get3A_9] : memref<128x128xf32, #tpu.memory_space<vmem>>, vector<128x128xf32>
    %dot_general3A_11 = arith.constant dense<0.000000e+00> : vector<2000x128xf32>
    %dot_general3A_12 = tpu.matmul %get3A_1, %get3A_10, %dot_general3A_11 {dimension_numbers = #tpu.dot_dimension_numbers<[1], [0], [0], [1], [0, 0, 1, 1], [], []>, transpose_lhs_hint = false} : vector<2000x128xf32>, vector<128x128xf32>, vector<2000x128xf32> -> vector<2000x128xf32>
    %swap3A_13 = arith.constant 0 : index
    %swap3A_14 = arith.constant 0 : index
    %swap3A_15 = vector.load %arg5[%swap3A_13, %swap3A_14] : memref<2000x128xf32, #tpu.memory_space<vmem>>, vector<2000x128xf32>
    tpu.vector_store %arg5[%swap3A_13, %swap3A_14], %dot_general3A_12 {strides = array<i32>} : memref<2000x128xf32, #tpu.memory_space<vmem>>, vector<2000x128xf32>,
    return
  }
  func.func @transform_0(%arg0: i32) -> (i32, i32) {
    %c0_i32 = arith.constant 0 : i32
    %c0_i32_0 = arith.constant 0 : i32
    return %arg0, %c0_i32 : i32, i32
  }
  func.func @transform_1(%arg0: i32) -> (i32, i32) {
    %c0_i32 = arith.constant 0 : i32
    %c0_i32_0 = arith.constant 0 : i32
    %c0_i32_1 = arith.constant 0 : i32
    return %c0_i32, %c0_i32_0 : i32, i32
  }
  func.func @transform_2(%arg0: i32) -> (i32, i32) {
    %c0_i32 = arith.constant 0 : i32
    %c0_i32_0 = arith.constant 0 : i32
    %c0_i32_1 = arith.constant 0 : i32
    return %c0_i32, %c0_i32_0 : i32, i32
  }
  func.func @transform_3(%arg0: i32) -> (i32, i32) {
    %c0_i32 = arith.constant 0 : i32
    %c0_i32_0 = arith.constant 0 : i32
    return %arg0, %c0_i32 : i32, i32
  }
  func.func @transform_4(%arg0: i32) -> (i32, i32) {
    %c0_i32 = arith.constant 0 : i32
    %c0_i32_0 = arith.constant 0 : i32
    return %arg0, %c0_i32 : i32, i32
  }
}

module attributes {stable_mosaic.version = 14 : i64} {
  func.func @_mlp_body(%arg0: i32, %arg1: memref<2048x128xf32, #tpu.memory_space<vmem>>, %arg2: memref<2048x32xf32, #tpu.memory_space<vmem>>, %arg3: memref<32x128xf32, #tpu.memory_space<vmem>>, %arg4: memref<1x128xf32, #tpu.memory_space<vmem>>, %arg5: memref<128x128xf32, #tpu.memory_space<vmem>>, %arg6: memref<1x128xf32, #tpu.memory_space<vmem>>, %arg7: memref<128x128xf32, #tpu.memory_space<vmem>>, %arg8: memref<1x128xf32, #tpu.memory_space<vmem>>, %arg9: memref<128x128xf32, #tpu.memory_space<vmem>>, %arg10: memref<1x128xf32, #tpu.memory_space<vmem>>, %arg11: memref<2048x128xf32, #tpu.memory_space<vmem>>) attributes {dimension_semantics = [#tpu.dimension_semantics<arbitrary>], iteration_bounds = array<i64: 158>, scalar_prefetch = 0 : i64, scratch_operands = 0 : i64, tpu.core_type = #tpu.core_type<tc>, window_params = [{transform_indices = @transform_0, window_bounds = array<i64: 2048, 128>}, {transform_indices = @transform_1, window_bounds = array<i64: 2048, 32>}, {pipeline_mode = #tpu.pipeline_mode<synchronous>, transform_indices = @transform_2, window_bounds = array<i64: 32, 128>}, {pipeline_mode = #tpu.pipeline_mode<synchronous>, transform_indices = @transform_3, window_bounds = array<i64: 1, 128>}, {pipeline_mode = #tpu.pipeline_mode<synchronous>, transform_indices = @transform_4, window_bounds = array<i64: 128, 128>}, {pipeline_mode = #tpu.pipeline_mode<synchronous>, transform_indices = @transform_5, window_bounds = array<i64: 1, 128>}, {pipeline_mode = #tpu.pipeline_mode<synchronous>, transform_indices = @transform_6, window_bounds = array<i64: 128, 128>}, {pipeline_mode = #tpu.pipeline_mode<synchronous>, transform_indices = @transform_7, window_bounds = array<i64: 1, 128>}, {pipeline_mode = #tpu.pipeline_mode<synchronous>, transform_indices = @transform_8, window_bounds = array<i64: 128, 128>}, {pipeline_mode = #tpu.pipeline_mode<synchronous>, transform_indices = @transform_9, window_bounds = array<i64: 1, 128>}, {transform_indices = @transform_10, window_bounds = array<i64: 2048, 128>}]} {
    %get3A = arith.constant 0 : index
    %get3A_0 = arith.constant 0 : index
    %get3A_1 = vector.load %arg1[%get3A, %get3A_0] : memref<2048x128xf32, #tpu.memory_space<vmem>>, vector<2048x128xf32>
    %get3A_2 = arith.constant 0 : index
    %get3A_3 = arith.constant 0 : index
    %get3A_4 = vector.load %arg2[%get3A_2, %get3A_3] : memref<2048x32xf32, #tpu.memory_space<vmem>>, vector<2048x32xf32>
    %get3A_5 = arith.constant 0 : index
    %get3A_6 = arith.constant 0 : index
    %get3A_7 = vector.load %arg3[%get3A_5, %get3A_6] : memref<32x128xf32, #tpu.memory_space<vmem>>, vector<32x128xf32>
    %dot_general3A = arith.constant dense<0.000000e+00> : vector<2048x128xf32>
    %dot_general3A_8 = tpu.matmul %get3A_4, %get3A_7, %dot_general3A {dimension_numbers = #tpu.dot_dimension_numbers<[1], [0], [0], [1], [0, 0, 1, 1], [], []>, transpose_lhs_hint = false} : vector<2048x32xf32>, vector<32x128xf32>, vector<2048x128xf32> -> vector<2048x128xf32>
    %add3A = arith.addf %get3A_1, %dot_general3A_8 : vector<2048x128xf32>
    %get3A_9 = arith.constant 0 : index
    %get3A_10 = arith.constant 0 : index
    %get3A_11 = vector.load %arg4[%get3A_9, %get3A_10] : memref<1x128xf32, #tpu.memory_space<vmem>>, vector<1x128xf32>
    %add3A_12 = vector.broadcast %get3A_11 : vector<1x128xf32> to vector<2048x128xf32>
    %add3A_13 = arith.addf %add3A, %add3A_12 : vector<2048x128xf32>
    %max3A = arith.constant 0.000000e+00 : f32
    %max3A_14 = vector.broadcast %max3A : f32 to vector<2048x128xf32>
    %max3A_15 = arith.maximumf %add3A_13, %max3A_14 : vector<2048x128xf32>
    %get3A_16 = arith.constant 0 : index
    %get3A_17 = arith.constant 0 : index
    %get3A_18 = vector.load %arg5[%get3A_16, %get3A_17] : memref<128x128xf32, #tpu.memory_space<vmem>>, vector<128x128xf32>
    %dot_general3A_19 = arith.constant dense<0.000000e+00> : vector<2048x128xf32>
    %dot_general3A_20 = tpu.matmul %max3A_15, %get3A_18, %dot_general3A_19 {dimension_numbers = #tpu.dot_dimension_numbers<[1], [0], [0], [1], [0, 0, 1, 1], [], []>, transpose_lhs_hint = false} : vector<2048x128xf32>, vector<128x128xf32>, vector<2048x128xf32> -> vector<2048x128xf32>
    %get3A_21 = arith.constant 0 : index
    %get3A_22 = arith.constant 0 : index
    %get3A_23 = vector.load %arg6[%get3A_21, %get3A_22] : memref<1x128xf32, #tpu.memory_space<vmem>>, vector<1x128xf32>
    %add3A_24 = vector.broadcast %get3A_23 : vector<1x128xf32> to vector<2048x128xf32>
    %add3A_25 = arith.addf %dot_general3A_20, %add3A_24 : vector<2048x128xf32>
    %max3A_26 = arith.constant 0.000000e+00 : f32
    %max3A_27 = vector.broadcast %max3A_26 : f32 to vector<2048x128xf32>
    %max3A_28 = arith.maximumf %add3A_25, %max3A_27 : vector<2048x128xf32>
    %get3A_29 = arith.constant 0 : index
    %get3A_30 = arith.constant 0 : index
    %get3A_31 = vector.load %arg7[%get3A_29, %get3A_30] : memref<128x128xf32, #tpu.memory_space<vmem>>, vector<128x128xf32>
    %dot_general3A_32 = arith.constant dense<0.000000e+00> : vector<2048x128xf32>
    %dot_general3A_33 = tpu.matmul %max3A_28, %get3A_31, %dot_general3A_32 {dimension_numbers = #tpu.dot_dimension_numbers<[1], [0], [0], [1], [0, 0, 1, 1], [], []>, transpose_lhs_hint = false} : vector<2048x128xf32>, vector<128x128xf32>, vector<2048x128xf32> -> vector<2048x128xf32>
    %get3A_34 = arith.constant 0 : index
    %get3A_35 = arith.constant 0 : index
    %get3A_36 = vector.load %arg8[%get3A_34, %get3A_35] : memref<1x128xf32, #tpu.memory_space<vmem>>, vector<1x128xf32>
    %add3A_37 = vector.broadcast %get3A_36 : vector<1x128xf32> to vector<2048x128xf32>
    %add3A_38 = arith.addf %dot_general3A_33, %add3A_37 : vector<2048x128xf32>
    %max3A_39 = arith.constant 0.000000e+00 : f32
    %max3A_40 = vector.broadcast %max3A_39 : f32 to vector<2048x128xf32>
    %max3A_41 = arith.maximumf %add3A_38, %max3A_40 : vector<2048x128xf32>
    %get3A_42 = arith.constant 0 : index
    %get3A_43 = arith.constant 0 : index
    %get3A_44 = vector.load %arg9[%get3A_42, %get3A_43] : memref<128x128xf32, #tpu.memory_space<vmem>>, vector<128x128xf32>
    %dot_general3A_45 = arith.constant dense<0.000000e+00> : vector<2048x128xf32>
    %dot_general3A_46 = tpu.matmul %max3A_41, %get3A_44, %dot_general3A_45 {dimension_numbers = #tpu.dot_dimension_numbers<[1], [0], [0], [1], [0, 0, 1, 1], [], []>, transpose_lhs_hint = false} : vector<2048x128xf32>, vector<128x128xf32>, vector<2048x128xf32> -> vector<2048x128xf32>
    %get3A_47 = arith.constant 0 : index
    %get3A_48 = arith.constant 0 : index
    %get3A_49 = vector.load %arg10[%get3A_47, %get3A_48] : memref<1x128xf32, #tpu.memory_space<vmem>>, vector<1x128xf32>
    %add3A_50 = vector.broadcast %get3A_49 : vector<1x128xf32> to vector<2048x128xf32>
    %add3A_51 = arith.addf %dot_general3A_46, %add3A_50 : vector<2048x128xf32>
    %swap3A = arith.constant 0 : index
    %swap3A_52 = arith.constant 0 : index
    %swap3A_53 = vector.load %arg11[%swap3A, %swap3A_52] : memref<2048x128xf32, #tpu.memory_space<vmem>>, vector<2048x128xf32>
    tpu.vector_store %arg11[%swap3A, %swap3A_52], %add3A_51 {strides = array<i32>} : memref<2048x128xf32, #tpu.memory_space<vmem>>, vector<2048x128xf32>,
    return
  }
  func.func @transform_0(%arg0: i32) -> (i32, i32) {
    %c0_i32 = arith.constant 0 : i32
    %c0_i32_0 = arith.constant 0 : i32
    return %arg0, %c0_i32 : i32, i32
  }
  func.func @transform_1(%arg0: i32) -> (i32, i32) {
    %c0_i32 = arith.constant 0 : i32
    %c0_i32_0 = arith.constant 0 : i32
    return %arg0, %c0_i32 : i32, i32
  }
  func.func @transform_2(%arg0: i32) -> (i32, i32) {
    %c0_i32 = arith.constant 0 : i32
    %c0_i32_0 = arith.constant 0 : i32
    %c0_i32_1 = arith.constant 0 : i32
    return %c0_i32, %c0_i32_0 : i32, i32
  }
  func.func @transform_3(%arg0: i32) -> (i32, i32) {
    %c0_i32 = arith.constant 0 : i32
    %c0_i32_0 = arith.constant 0 : i32
    %c0_i32_1 = arith.constant 0 : i32
    return %c0_i32, %c0_i32_0 : i32, i32
  }
  func.func @transform_4(%arg0: i32) -> (i32, i32) {
    %c0_i32 = arith.constant 0 : i32
    %c0_i32_0 = arith.constant 0 : i32
    %c0_i32_1 = arith.constant 0 : i32
    return %c0_i32, %c0_i32_0 : i32, i32
  }
  func.func @transform_5(%arg0: i32) -> (i32, i32) {
    %c0_i32 = arith.constant 0 : i32
    %c0_i32_0 = arith.constant 0 : i32
    %c0_i32_1 = arith.constant 0 : i32
    return %c0_i32, %c0_i32_0 : i32, i32
  }
  func.func @transform_6(%arg0: i32) -> (i32, i32) {
    %c0_i32 = arith.constant 0 : i32
    %c0_i32_0 = arith.constant 0 : i32
    %c0_i32_1 = arith.constant 0 : i32
    return %c0_i32, %c0_i32_0 : i32, i32
  }
  func.func @transform_7(%arg0: i32) -> (i32, i32) {
    %c0_i32 = arith.constant 0 : i32
    %c0_i32_0 = arith.constant 0 : i32
    %c0_i32_1 = arith.constant 0 : i32
    return %c0_i32, %c0_i32_0 : i32, i32
  }
  func.func @transform_8(%arg0: i32) -> (i32, i32) {
    %c0_i32 = arith.constant 0 : i32
    %c0_i32_0 = arith.constant 0 : i32
    %c0_i32_1 = arith.constant 0 : i32
    return %c0_i32, %c0_i32_0 : i32, i32
  }
  func.func @transform_9(%arg0: i32) -> (i32, i32) {
    %c0_i32 = arith.constant 0 : i32
    %c0_i32_0 = arith.constant 0 : i32
    %c0_i32_1 = arith.constant 0 : i32
    return %c0_i32, %c0_i32_0 : i32, i32
  }
  func.func @transform_10(%arg0: i32) -> (i32, i32) {
    %c0_i32 = arith.constant 0 : i32
    %c0_i32_0 = arith.constant 0 : i32
    return %arg0, %c0_i32 : i32, i32
  }
}

module attributes {stable_mosaic.version = 14 : i64} {
  func.func @_combine_body(%arg0: i32, %arg1: memref<2000x128xf32, #tpu.memory_space<vmem>>, %arg2: memref<2000x128xf32, #tpu.memory_space<vmem>>, %arg3: memref<2000x128xf32, #tpu.memory_space<vmem>>) attributes {dimension_semantics = [#tpu.dimension_semantics<arbitrary>], iteration_bounds = array<i64: 5>, scalar_prefetch = 0 : i64, scratch_operands = 0 : i64, tpu.core_type = #tpu.core_type<tc>, window_params = [{transform_indices = @transform_0, window_bounds = array<i64: 2000, 128>}, {transform_indices = @transform_1, window_bounds = array<i64: 2000, 128>}, {transform_indices = @transform_2, window_bounds = array<i64: 2000, 128>}]} {
    %get3A = arith.constant 0 : index
    %get3A_0 = arith.constant 0 : index
    %get3A_1 = vector.load %arg1[%get3A, %get3A_0] : memref<2000x128xf32, #tpu.memory_space<vmem>>, vector<2000x128xf32>
    %get3A_2 = arith.constant 0 : index
    %get3A_3 = arith.constant 0 : index
    %get3A_4 = vector.load %arg2[%get3A_2, %get3A_3] : memref<2000x128xf32, #tpu.memory_space<vmem>>, vector<2000x128xf32>
    %add3A = arith.addf %get3A_1, %get3A_4 : vector<2000x128xf32>
    %swap3A = arith.constant 0 : index
    %swap3A_5 = arith.constant 0 : index
    %swap3A_6 = vector.load %arg3[%swap3A, %swap3A_5] : memref<2000x128xf32, #tpu.memory_space<vmem>>, vector<2000x128xf32>
    tpu.vector_store %arg3[%swap3A, %swap3A_5], %add3A {strides = array<i32>} : memref<2000x128xf32, #tpu.memory_space<vmem>>, vector<2000x128xf32>,
    return
  }
  func.func @transform_0(%arg0: i32) -> (i32, i32) {
    %c0_i32 = arith.constant 0 : i32
    %c0_i32_0 = arith.constant 0 : i32
    return %arg0, %c0_i32 : i32, i32
  }
  func.func @transform_1(%arg0: i32) -> (i32, i32) {
    %c0_i32 = arith.constant 0 : i32
    %c0_i32_0 = arith.constant 0 : i32
    return %arg0, %c0_i32 : i32, i32
  }
  func.func @transform_2(%arg0: i32) -> (i32, i32) {
    %c0_i32 = arith.constant 0 : i32
    %c0_i32_0 = arith.constant 0 : i32
    return %arg0, %c0_i32 : i32, i32
  }
}

</mosaic_0001>

<sc_bundles>
// kernel: kernel.10.cloned.1.call-start
scs
__scs_entry_jumppad:
0x0: {  	(pc) =	sbr.rel $0x88, $3  }
0x1: {  	(tag) =	ssettag $0x0;
	lr =	simm.s32 $0x1  }
0x2: {  	[smem:$0x3F96] =	sst lr;
	_ =	strace $0xD0000000  }
0x3: {  	_ = 	snop  }
0x4: {  	_ = 	snop  }
0x5: {  	_ = 	snop  }
0x6: {  	_ = 	snop  }
0x7: {  	_ = 	snop  }
__scs_overlays_trampoline_lowered:
0x8: {  	[smem:$0x3FA5] =	sst s0  }
0x9: {  	[smem:$0x3FA6] =	sst s1  }
0xa: {  	[smem:$0x3FA7] =	sst s2  }
0xb: {  	[smem:$0x3FA8] =	sst s3  }
0xc: {  	[smem:$0x3FA9] =	sst s4  }
0xd: {  	[smem:$0x3FAA] =	sst s5  }
0xe: {  	[smem:$0x3FAB] =	sst s6  }
0xf: {  	[smem:$0x3FAC] =	sst s7  }
0x10: {  	[smem:$0x3FAD] =	sst s8  }
0x11: {  	[smem:$0x3FAE] =	sst s9;
	s0 =	simm.s32 @!p0 $0x0  }
0x12: {  	s1 =	sld [smem:$0x3F94];
	s0 =	simm.s32 @p0 $0x1  }
0x13: {  	[smem:$0x3FAF] =	sst s0;
	s0 =	simm.s32 @!p1 $0x0  }
0x14: {  	s2 =	sld [smem:$0x3F93];
	s0 =	simm.s32 @p1 $0x1  }
0x15: {  	[smem:$0x3FB0] =	sst s0;
	s0 =	simm.s32 @!p2 $0x0  }
0x16: {  	s3 =	sld [smem:$0x3FDB];
	s0 =	simm.s32 @p2 $0x1  }
0x17: {  	s4 =	simm.s32 $0x1BF5;
	[smem:$0x3FB2] =	sst s0  }
0x18: {  	s0 =	sld [smem:$0x3F95];
	_ =	swait.ge [sflag:s4], $0x0  }
0x19: {  	s7 =	sld [smem:$0x3F96]  }
0x1a: {  	s8 =	sadd.s32 $0xFFFFE003, lr  }
0x1b: {  	s9 =	sadd.s32 $0xFFFFFEF7, lr;
	s5 =	simm.s32 $0xFFFFFFFF;
	p2 =	slt.u32 s8, $0xFFFFF086  }
0x1c: {  	p1 =	slt.u32 s9, $0xF7A;
	s5 =	simm.s32 @!p2 $0x0  }
0x1d: {  	s5 =	simm.s32 @p1 $0x1;
	p0 =	seq.s32 s7, s2  }
0x1e: {  	s7 =	smul.u32 @!p0 $0xF7A, s2;
	p2 =	seq.s32 @!p0 s5, $0x0  }
0x1f: {  	s9 =	smul.u32 $0xF7A, s1;
	s8 =	simm.s32 @!p0 $0x1BF5;
	p2 =	por !p2, p0  }
0x20: {  	[sflag:s8] =	ssyncset.s32 @!p0 $0xFFFFF086;
	s6 =	sadd.s32 @!p0 s3, s7;
	s7 =	simm.s32 @!p0 $0x108  }
0x21: {  	s3 =	sadd.s32 s3, s9;
	s6 =	sadd.s32 @!p0 $0x88, s6;
	s7 =	simm.s32 @p2 $0x1082  }
0x22: {  	[simem:s7], [sflag:s8] =	dma.local @!p0 [hbm:s6], $0xF7A  }
0x23: {  	s9 =	sor.u32 $0xD0000000, s2;
	s6 =	simm.s32 $0x108;
	_ =	swait.ge @!p0 [sflag:s8], $0x0  }
0x24: {  	s3 =	sadd.s32 $0x88, s3;
	s6 =	simm.s32 @!p1 $0x1082;
	[sflag:s4] =	ssyncset.s32 $0xFFFFF086  }
0x25: {  	[simem:s6], [sflag:s4] =	dma.local [hbm:s3], $0xF7A  }
0x26: {  	[smem:$0x3F96] =	sst s1;
	(tag) =	ssettag s2;
	_ =	strace s9  }
0x27: {  	s1 =	sld [smem:$0x3FA6]  }
0x28: {  	s2 =	sld [smem:$0x3FA7]  }
0x29: {  	s4 =	sld [smem:$0x3FA9]  }
0x2a: {  	p0 =	seq.s32 s5, $0x0;
	s5 =	sld [smem:$0x3FAA]  }
0x2b: {  	s6 =	sld [smem:$0x3FAB]  }
0x2c: {  	s7 =	sld [smem:$0x3FAC]  }
0x2d: {  	s3 =	simm.s32 $0x108;
	s8 =	sld [smem:$0x3FAD]  }
0x2e: {  	s3 =	simm.s32 @!p0 $0x1082;
	s9 =	sld [smem:$0x3FAE]  }
0x2f: {  	lr =	sadd.s32 s0, s3;
	s0 =	sld [smem:$0x3FA5]  }
0x30: {  	s3 =	sld [smem:$0x3FA8]  }
0x31: {  	[smem:$0x3FB1] =	sst s10  }
0x32: {  	s10 =	sld [smem:$0x3FAF];
	_ =	sdelay $0x3  }
0x33: {  	p0 =	seq.s32 s10, $0x1;
	s10 =	sld [smem:$0x3FB1];
	_ =	sdelay $0x3  }
0x34: {  	[smem:$0x3FB1] =	sst s10  }
0x35: {  	s10 =	sld [smem:$0x3FB0];
	_ =	sdelay $0x3  }
0x36: {  	p1 =	seq.s32 s10, $0x1;
	s10 =	sld [smem:$0x3FB1];
	_ =	sdelay $0x3  }
0x37: {  	[smem:$0x3FB1] =	sst s10  }
0x38: {  	s10 =	sld [smem:$0x3FB2]  }
0x39: {  	_ = 	snop;
	(pc) =	sbr.ind lr, $3  }
0x3a: {  	_ = 	snop  }
0x3b: {  	_ = 	snop  }
0x3c: {  	p2 =	seq.s32 s10, $0x1;
	s10 =	sld [smem:$0x3FB1]  }
0x3d: {  	_ =	shalt  }
0x3e: {  	_ =	shalt  }
0x3f: {  	_ =	shalt  }
0x40: {  	_ =	shalt  }
0x41: {  	_ =	shalt  }
0x42: {  	_ =	shalt  }
0x43: {  	_ =	shalt  }
0x44: {  	_ =	shalt  }
0x45: {  	_ =	shalt  }
0x46: {  	_ =	shalt  }
0x47: {  	_ =	shalt  }
0x48: {  	_ =	shalt  }
0x49: {  	_ =	shalt  }
0x4a: {  	_ =	shalt  }
0x4b: {  	_ =	shalt  }
0x4c: {  	_ =	shalt  }
0x4d: {  	_ =	shalt  }
0x4e: {  	_ =	shalt  }
0x4f: {  	_ =	shalt  }
0x50: {  	_ =	shalt  }
0x51: {  	_ =	shalt  }
0x52: {  	_ =	shalt  }
0x53: {  	_ =	shalt  }
0x54: {  	_ =	shalt  }
0x55: {  	_ =	shalt  }
0x56: {  	_ =	shalt  }
0x57: {  	_ =	shalt  }
0x58: {  	_ =	shalt  }
0x59: {  	_ =	shalt  }
0x5a: {  	_ =	shalt  }
0x5b: {  	_ =	shalt  }
0x5c: {  	_ =	shalt  }
0x5d: {  	_ =	shalt  }
0x5e: {  	_ =	shalt  }
0x5f: {  	_ =	shalt  }
0x60: {  	_ =	shalt  }
0x61: {  	_ =	shalt  }
0x62: {  	_ =	shalt  }
0x63: {  	_ =	shalt  }
0x64: {  	_ =	shalt  }
0x65: {  	_ =	shalt  }
0x66: {  	_ =	shalt  }
0x67: {  	_ =	shalt  }
0x68: {  	_ =	shalt  }
0x69: {  	_ =	shalt  }
0x6a: {  	_ =	shalt  }
0x6b: {  	_ =	shalt  }
0x6c: {  	_ =	shalt  }
0x6d: {  	_ =	shalt  }
0x6e: {  	_ =	shalt  }
0x6f: {  	_ =	shalt  }
0x70: {  	_ =	shalt  }
0x71: {  	_ =	shalt  }
0x72: {  	_ =	shalt  }
0x73: {  	_ =	shalt  }
0x74: {  	_ =	shalt  }
0x75: {  	_ =	shalt  }
0x76: {  	_ =	shalt  }
0x77: {  	_ =	shalt  }
0x78: {  	_ =	shalt  }
0x79: {  	_ =	shalt  }
0x7a: {  	_ =	shalt  }
0x7b: {  	_ =	shalt  }
0x7c: {  	_ =	shalt  }
0x7d: {  	_ =	shalt  }
0x7e: {  	_ =	shalt  }
0x7f: {  	_ =	shalt  }
0x80: {  	_ =	shalt  }
0x81: {  	_ =	shalt  }
0x82: {  	_ =	shalt  }
0x83: {  	_ =	shalt  }
0x84: {  	_ =	shalt  }
0x85: {  	_ =	shalt  }
0x86: {  	_ =	shalt  }
0x87: {  	_ =	shalt  }
.Lfunc_end0:
.L_simem_size_0:
called_computation.1_lowered:
.L_overlay_start_0:
0x88: {  	s2 =	sld [smem:$0x3FD9]  }
0x89: {  	s3 =	sld [smem:$0x3FFE];
	_ =	sdelay $0x1  }
0x8a: {  	s1 =	srdreg.scid  }
0x8b: {  	s0 =	sand.u32 $0x1, s1  }
0x8c: {  	s16 =	sshll.u32 s0, $0xA;
	s2 =	sadd.s32 s3, s2  }
0x8d: {  	s2 =	sadd.s32 s2, s16  }
0x8e: {  	[smem:$0x3FBD] =	sst s2  }
0x8f: {  	_ = 	snop  }
0x90: {  	(tm) =	ssettm $0x1  }
0x91: {  	s17 =	sld [smem:$0x3FFB];
	_ =	sdelay $0x3  }
0x92: {  	_ =	strace s17  }
0x93: {  	s2 =	sld [smem:$0x3FFC];
	_ =	sdelay $0x3  }
0x94: {  	_ =	strace s2  }
0x95: {  	s2 =	sld [smem:$0x3FFD];
	_ =	sdelay $0x3  }
0x96: {  	_ =	strace s2  }
0x97: {  	_ =	strace $0x8FFFFFFF  }
0x98: {  	s18 =	sld [smem:$0x3FDB];
	_ =	sdelay $0x1  }
0x99: {  	s19 =	simm.s32 $_scs_section_size  }
0x9a: {  	s4 =	simm.s32 $_size__tile_overlayer_lowered;
	s5 =	simm.s32 $_tile_overlayer_lowered  }
0x9b: {  	s22 =	simm.s32 $0x1BFF;
	s21 =	sshll.u32 s5, $0x1;
	s2 =	sadd.s32 s19, s18  }
0x9c: {  	s6 =	simm.s32 $0x0;
	s20 =	sshll.u32 s4, $0x1;
	s4 =	sadd.s32 s21, s2  }
0x9d: {  	[timem:s6], [sflag:s22] =	dma.local [hbm:s4], s20  }
0x9e: {  	_ =	swait.ge [sflag:s22], s20  }
0x9f: {  	s3 =	ssub.s32 $0x0, s20;
	[sflag:s22] =	ssyncset.done $0x0  }
0xa0: {  	[sflag:s22] =	ssyncadd.s32 s3;
	_ =	sdelay $0x1  }
0xa1: {  	s23 =	simm.s32 $0x1B8B  }
0xa2: {  	_ =	swait.ge [sflag:s23], $0x1  }
0xa3: {  	[sflag:s23] =	ssyncset.done $0x0  }
0xa4: {  	s25 =	simm.s32 $0x1B8E;
	s24 =	sld [smem:$0x3FFE];
	[sflag:s23] =	ssyncadd.s32 $0xFFFFFFFF  }
0xa5: {  	s26 =	simm.s32 $execute0_lowered;
	[smem:$0x3FD2] =	sst s25  }
0xa6: {  	s4 =	sshll.u32 s26, $0x1;
	_ =	strace $0x80000049;
	[dreg:$0x1] =	wrdreg $0xFFFFFFFF  }
0xa7: {  	s28 =	simm.s32 $_size_execute0_lowered;
	s2 =	sadd.s32 s2, s4;
	[dreg:$0x0] =	wrdreg $0x0  }
0xa8: {  	s4 =	sshll.u32 s28, $0x1;
	[dreg:$0x2] =	wrdreg s2  }
0xa9: {  	[dreg:$0x3] =	wrdreg s4  }
0xaa: {  	[dreg:$0x4] =	wrdreg $0xC0  }
0xab: {  	_ =	task [dreg:s6], $0x5FFFF  }
0xac: {  	[dreg:$0x1] =	wrdreg $0xFFFFFFFF  }
0xad: {  	[dreg:$0x0] =	wrdreg $0x60  }
0xae: {  	[dreg:$0x2] =	wrdreg s24  }
0xaf: {  	[dreg:$0x3] =	wrdreg $0x80800  }
0xb0: {  	[dreg:$0x4] =	wrdreg $0x9  }
0xb1: {  	_ =	task.clear_ibuf [dreg:s6], $0x5FFFF;
	_ =	strace $0x90000049  }
0xb2: {  	s29 =	simm.s32 $0x9;
	_ =	strace $0x8000004B  }
0xb3: {  	_ =	swait.ge [sflag:s29], $0x1  }
0xb4: {  	[sflag:s29] =	ssyncadd.s32 $0xFFFFFFFF  }
0xb5: {  	_ =	strace $0x9000004B  }
0xb6: {  	_ =	sfence  }
0xb7: {  	s30 =	sld [smem:$0x0];
	_ =	sdelay $0x2  }
0xb8: {  	s31 =	sshll.u32 s1, $0xD;
	s1 =	sshrl.u32 s1, $0x2  }
0xb9: {  	s3 =	sand.u32 $0x4000, s31;
	s1 =	sadd.s32 s1, s30  }
0xba: {  	s0 =	sor.u32 s3, s0;
	s1 =	sshll.u32 s1, $0x11  }
0xbb: {  	s0 =	sor.u32 s1, s0  }
0xbc: {  	s0 =	sadd.s32 $0x8F2B, s0  }
0xbd: {  	[sflag:s0] =	ssyncadd.remote.s32 $0x1  }
0xbe: {  	_ =	sfence.sel $0xFFFF  }
0xbf: {  	[dreg:$0x0] =	wrdreg $0xFFFFFFFF;
	(pc) =	sbr.abs _section_cstart, $3  }
0xc0: {  	[dreg:$0x1] =	wrdreg $0xFFFFFFFF  }
0xc1: {  	_ =	task.clear_ibuf [dreg:s6], $0x2FFFF;
	_ =	strace $0x9FFFFFFF  }
0xc2: {  	(tm) =	ssettm $0x7FFFFFFF  }
0xc3: {  	_ =	shalt  }
tec
execute0_lowered:
.L_overlay_start_1:
0x0: {  	(tag) =	ssettag $0x1  }
0x1: {  	s5 =	rddreg [dreg:$0x0];
	s1 =	stileid.u32  }
0x2: {  	s0 =	srdreg.scid;
	s7 =	smul.u32 $0x14000, s1  }
0x3: {  	s2 =	rddreg [dreg:$0x1];
	s3 =	simm.s32 $0x0;
	s10 =	smul.u32 $0x50000, s1  }
0x4: {  	s18 =	simm.s32 $0x1;
	s19 =	simm.s32 $0x0;
	s15 =	smul.u32 $0x2780, s1  }
0x5: {  	s9 =	sand.u32 $0x1, s0;
	s0 =	rddreg [dreg:$0x2];
	s17 =	smul.u32 $0x13C000, s1  }
0x6: {  	[smem:$0x7FF] =	sst s3;
	s4 =	sadd.s32 $0xEFEE00, s5;
	s6 =	smul.u32 $0x140000, s9  }
0x7: {  	s14 =	sadd.s32 $0x2000, s5;
	_ =	strace $0x8000004A;
	s13 =	smul.u32 $0x27800, s9  }
0x8: {  	s26 =	sshll.u32 s9, $0x4;
	s8 =	ssub.s32 $0x2, s9;
	s16 =	smul.u32 $0x13C0000, s9  }
0x9: {  	s28 =	sshrl.u32 s8, $0x1;
	s30 =	sshrl.u32 s10, $0x2;
	s6 =	sadd.s32 s7, s6  }
0xa: {  	s7 =	sor.u32 s1, s26;
	s8 =	ssub.s32 s8, s28;
	s15 =	sadd.s32 s15, s13  }
0xb: {  	s16 =	sadd.s32 s17, s16;
	s17 =	simm.s32 $0x2;
	s29 =	smul.u32 $0x27800, s7  }
0xc: {  	s6 =	sshrl.u32 s6, $0x3;
	s12 =	smul.u32 $0x2780, s7;
	s8 =	smax.u32 s8, $0x1  }
0xd: {  	s15 =	sshrl.u32 s15, $0x3;
	s11 =	sadd.s32 s6, s5;
	s5 =	sadd.s32 s30, s2  }
0xe: {  	s6 =	sadd.s32 s4, s29;
	s7 =	sadd.s32 $0xBE00, s11;
	s31 =	sshrl.u32 s12, $0x3  }
0xf: {  	s11 =	sadd.s32 $0x8000, s5;
	s12 =	sadd.s32 $0xC000, s5;
	s13 =	sadd.s32 $0x10000, s5  }
0x10: {  	s10 =	sadd.s32 s14, s31;
	s14 =	sadd.s32 s15, s14;
	s15 =	sadd.s32 $0x4000, s16  }
0x11: {  	v0 =	vimm.f32 $0.0e+00;
	s16 =	simm.s32 $0x80;
	s9 =	sadd.s32 $0x4E0, s10;
	s10 =	sadd.s32 $0x4000, s5  }
.LBB2_1:
0x12: {  	s20 =	simm.s32 $0x0;
	s21 =	simm.s32 $0x200  }
.LBB2_2:
0x13: {  	p0 =	sne.s32 s21, $0xFE00;
	[tilespmem:s20+$0xF0] =	vst v0  }
0x14: {  	[tilespmem:s20+$0x80] =	vst v0  }
0x15: {  	[tilespmem:s20+$0x90] =	vst v0  }
.Ltmp0:
0x16: {  	[tilespmem:s20+$0xA0] =	vst v0;
	(pc) =	sbr.rel @p0 .LBB2_2-.Ltmp0, $4  }
0x17: {  	[tilespmem:s20+$0xB0] =	vst v0  }
0x18: {  	[tilespmem:s20+$0xC0] =	vst v0  }
0x19: {  	[tilespmem:s20+$0xD0] =	vst v0  }
0x1a: {  	[tilespmem:s20+$0xE0] =	vst v0;
	s20 =	sshra.s32 s21, $0x2;
	s21 =	sadd.s32 $0x200, s21  }
0x1b: {  	[tilespmem:s20+$0xF0] =	vst v0  }
0x1c: {  	[tilespmem:s20+$0x80] =	vst v0  }
0x1d: {  	[tilespmem:s20+$0x90] =	vst v0  }
0x1e: {  	[tilespmem:s20+$0xA0] =	vst v0  }
0x1f: {  	[tilespmem:s20+$0xB0] =	vst v0  }
0x20: {  	[tilespmem:s20+$0xC0] =	vst v0  }
0x21: {  	[tilespmem:s20+$0xD0] =	vst v0  }
0x22: {  	[tilespmem:s20+$0xE0] =	vst v0  }
0x23: {  	[spmem:s5] =	stream.linear.scatter [tilespmem:s16], [sflag:$0x2], $0x4000, $0x38;
	[tilespmem:$0x1C080] =	vst v63  }
0x24: {  	_ =	swait.ge [sflag:s17], $0x4000  }
0x25: {  	[sflag:s17] =	ssyncset.done $0x0  }
0x26: {  	[sflag:s17] =	ssyncadd.s32 $0xFFFFC000  }
0x27: {  	[spmem:s10] =	stream.linear.scatter [tilespmem:s16], [sflag:$0x2], $0x4000, $0x38;
	[tilespmem:$0x1C080] =	vst v63  }
0x28: {  	_ =	swait.ge [sflag:s17], $0x4000  }
0x29: {  	[sflag:s17] =	ssyncset.done $0x0  }
0x2a: {  	[sflag:s17] =	ssyncadd.s32 $0xFFFFC000  }
0x2b: {  	[spmem:s11] =	stream.linear.scatter [tilespmem:s16], [sflag:$0x2], $0x4000, $0x38;
	[tilespmem:$0x1C080] =	vst v63  }
0x2c: {  	_ =	swait.ge [sflag:s17], $0x4000  }
0x2d: {  	[sflag:s17] =	ssyncset.done $0x0  }
0x2e: {  	[sflag:s17] =	ssyncadd.s32 $0xFFFFC000  }
0x2f: {  	[spmem:s12] =	stream.linear.scatter [tilespmem:s16], [sflag:$0x2], $0x4000, $0x38;
	[tilespmem:$0x1C080] =	vst v63  }
0x30: {  	_ =	swait.ge [sflag:s17], $0x4000  }
0x31: {  	[sflag:s17] =	ssyncset.done $0x0  }
0x32: {  	[sflag:s17] =	ssyncadd.s32 $0xFFFFC000  }
0x33: {  	[spmem:s13] =	stream.linear.scatter [tilespmem:s16], [sflag:$0x2], $0x4000, $0x38;
	[tilespmem:$0x1C080] =	vst v63  }
0x34: {  	_ =	swait.ge [sflag:s17], $0x4000  }
0x35: {  	[sflag:s17] =	ssyncset.done $0x0  }
0x36: {  	[sflag:s17] =	ssyncadd.s32 $0xFFFFC000  }
0x37: {  	s30 =	simm.s32 $0x0;
	[bflag:$0x0] =	sbarrier.arrive $0xFFFF  }
0x38: {  	[tilespmem:s16], [sflag:$0x1] =	stream.linear.gather [hbm4b:s6+s30], $0x4000, $0x38;
	[tilespmem:$0x1C080] =	vst v63  }
0x39: {  	_ = 	snop  }
0x3a: {  	[tilespmem:s3], [sflag:$0x2] =	stream.linear.gather [hbm4b:s14+s3], $0x80, $0x38;
	[tilespmem:$0x1C080] =	vst v63  }
0x3b: {  	_ =	swait.ge [sflag:s17], $0x80  }
0x3c: {  	[sflag:s17] =	ssyncset.done $0x0  }
0x3d: {  	[sflag:s17] =	ssyncadd.s32 $0xFFFFFF80  }
0x3e: {  	s31 =	simm.s32 $0x0;
	_ =	swait.ge [sflag:s18], $0x4000  }
0x3f: {  	s21 =	sshrl.u32 s15, $0x3;
	s20 =	sand.u32 $0x4000, s31;
	[sflag:s18] =	ssyncset.done $0x0  }
0x40: {  	s21 =	sadd.s32 s4, s21;
	s22 =	sxor.u32 $0x4080, s20;
	[sflag:s18] =	ssyncadd.s32 $0xFFFFC000  }
0x41: {  	[tilespmem:s22], [sflag:$0x1] =	stream.linear.gather [hbm4b:s21+s3], $0x4000, $0x38;
	[tilespmem:$0x1C080] =	vst v63  }
0x42: {  	s20 =	sor.u32 $0x80, s20  }
0x43: {  	[spmem:s2] =	stream.indirect.scatter.add.f32 [tilespmem:s20], [sflag:$0x2], $0x80, s3, s16, $0xb8;
	[tilespmem:$0x1C080] =	vst v63  }
0x44: {  	s21 =	smov.u32 s14;
	_ =	swait.ge [sflag:s17], $0x4000  }
0x45: {  	s22 =	smov.u32 s15;
	s20 =	simm.s32 $0x1;
	[sflag:s17] =	ssyncset.done $0x0  }
.LBB2_4:
0x46: {  	[sflag:s17] =	ssyncadd.s32 $0xFFFFC000;
	s21 =	sadd.s32 $0x10, s21;
	s22 =	sadd.s32 $0x4000, s22  }
0x47: {  	p0 =	sne.s32 s20, $0x4D;
	s23 =	smov.u32 s20;
	s20 =	sadd.s32 $0x1, s20  }
0x48: {  	[tilespmem:s3], [sflag:$0x2] =	stream.linear.gather [hbm4b:s21+s3], $0x80, $0x38;
	[tilespmem:$0x1C080] =	vst v63  }
0x49: {  	_ =	swait.ge [sflag:s17], $0x80  }
0x4a: {  	[sflag:s17] =	ssyncset.done $0x0  }
0x4b: {  	[sflag:s17] =	ssyncadd.s32 $0xFFFFFF80  }
0x4c: {  	s23 =	sshll.u32 s23, $0xE;
	_ =	swait.ge [sflag:s18], $0x4000  }
0x4d: {  	s24 =	sshrl.u32 s22, $0x3;
	s23 =	sand.u32 $0x4000, s23;
	[sflag:s18] =	ssyncset.done $0x0  }
0x4e: {  	s24 =	sadd.s32 s4, s24;
	s25 =	sxor.u32 $0x4080, s23;
	[sflag:s18] =	ssyncadd.s32 $0xFFFFC000  }
0x4f: {  	[tilespmem:s25], [sflag:$0x1] =	stream.linear.gather [hbm4b:s24+s3], $0x4000, $0x38;
	[tilespmem:$0x1C080] =	vst v63  }
.Ltmp1:
0x50: {  	_ = 	snop;
	(pc) =	sbr.rel @p0 .LBB2_4-.Ltmp1, $4  }
0x51: {  	s23 =	sor.u32 $0x80, s23  }
0x52: {  	[spmem:s2] =	stream.indirect.scatter.add.f32 [tilespmem:s23], [sflag:$0x2], $0x80, s3, s16, $0xb8;
	[tilespmem:$0x1C080] =	vst v63  }
0x53: {  	_ =	swait.ge [sflag:s17], $0x4000  }
0x54: {  	[sflag:s17] =	ssyncset.done $0x0  }
0x55: {  	[sflag:s17] =	ssyncadd.s32 $0xFFFFC000  }
0x56: {  	[tilespmem:s3], [sflag:$0x2] =	stream.linear.gather [hbm4b:s9+s3], $0x80, $0x38;
	[tilespmem:$0x1C080] =	vst v63  }
0x57: {  	_ =	swait.ge [sflag:s17], $0x80  }
0x58: {  	[sflag:s17] =	ssyncset.done $0x0  }
0x59: {  	[sflag:s17] =	ssyncadd.s32 $0xFFFFFF80  }
0x5a: {  	_ =	swait.ge [sflag:s18], $0x4000  }
0x5b: {  	[sflag:s18] =	ssyncset.done $0x0  }
0x5c: {  	[sflag:s18] =	ssyncadd.s32 $0xFFFFC000  }
0x5d: {  	[spmem:s2] =	stream.indirect.scatter.add.f32 [tilespmem:s16], [sflag:$0x2], $0x80, s3, s16, $0xb8;
	[tilespmem:$0x1C080] =	vst v63  }
0x5e: {  	_ =	swait.ge [sflag:s17], $0x4000  }
0x5f: {  	s20 =	sshll.u32 s1, $0x6;
	s19 =	sadd.s32 $0x1, s19;
	[sflag:s17] =	ssyncset.done $0x0  }
0x60: {  	s21 =	sshrl.u32 s5, $0x3;
	p0 =	sne.s32 s19, s8;
	[sflag:s17] =	ssyncadd.s32 $0xFFFFC000  }
.Ltmp2:
0x61: {  	s20 =	sor.u32 $0x1C02, s20;
	[bflag:$0x0] =	sbarrier.arrive $0xFFFF;
	(pc) =	sbr.rel @p0 .LBB2_1-.Ltmp2, $4  }
0x62: {  	[hbm:s7], [sflag:s20] =	dma.local [spmem:s21], $0x2800  }
0x63: {  	_ =	swait.ge [sflag:s17], $0x2800  }
0x64: {  	[sflag:s17] =	ssyncset.done $0x0  }
0x65: {  	[sflag:s17] =	ssyncadd.s32 $0xFFFFD800  }
0x66: {  	_ =	sfence.sel $0x180000  }
0x67: {  	[bflag:$0x0] =	sbarrier.arrive $0xFFFF  }
0x68: {  	p0 =	sne.s32 s1, $0x0;
	_ =	strace $0x9000004A  }
0x69: {  	s0 =	sadd.s32 @!p0 $0x100000, s0;
	[bflag:$0x2] =	sbarrier.arrive $0xFFFF  }
0x6a: {  	[sflag:s0] =	ssyncadd.tile.s32 @!p0 $0x1;
	_ =	shalt  }
.Lfunc_end2:
_tile_overlayer_lowered:
.L_overlay_start_2:
0x6b: {  	(tag) =	ssettag $0x2  }
0x6c: {  	s0 =	rddreg [dreg:$0x0];
	s2 =	stileid.u32  }
0x6d: {  	s1 =	rddreg [dreg:$0x1];
	p0 =	sne.s32 s2, $0x0  }
0x6e: {  	s3 =	rddreg [dreg:$0x2];
	[bflag:$0x3] =	sbarrier.arrive $0xFFFF;
	s2 =	simm.s32 @!p0 $0x1C02  }
0x6f: {  	[timem:s3], [sflag:s2] =	dma.local @!p0 [hbm:s0], s1  }
0x70: {  	s0 =	simm.s32 @!p0 $0x2  }
0x71: {  	_ =	swait.ge @!p0 [sflag:s0], s1  }
0x72: {  	s1 =	ssub.s32 @!p0 $0x0, s1;
	[sflag:s0] =	ssyncset.done @!p0 $0x0  }
0x73: {  	[sflag:s0] =	ssyncadd.s32 @!p0 s1  }
0x74: {  	[bflag:$0x3] =	sbarrier.arrive $0xFFFF  }
0x75: {  	_ =	shalt  }

// kernel: kernel.7.cloned.1.call-start
scs
__scs_entry_jumppad:
0x0: {  	(pc) =	sbr.rel $0x88, $3  }
0x1: {  	(tag) =	ssettag $0x0;
	lr =	simm.s32 $0x1  }
0x2: {  	[smem:$0x3F96] =	sst lr;
	_ =	strace $0xD0000000  }
0x3: {  	_ = 	snop  }
0x4: {  	_ = 	snop  }
0x5: {  	_ = 	snop  }
0x6: {  	_ = 	snop  }
0x7: {  	_ = 	snop  }
__scs_overlays_trampoline_lowered:
0x8: {  	[smem:$0x3FA5] =	sst s0  }
0x9: {  	[smem:$0x3FA6] =	sst s1  }
0xa: {  	[smem:$0x3FA7] =	sst s2  }
0xb: {  	[smem:$0x3FA8] =	sst s3  }
0xc: {  	[smem:$0x3FA9] =	sst s4  }
0xd: {  	[smem:$0x3FAA] =	sst s5  }
0xe: {  	[smem:$0x3FAB] =	sst s6  }
0xf: {  	[smem:$0x3FAC] =	sst s7  }
0x10: {  	[smem:$0x3FAD] =	sst s8  }
0x11: {  	[smem:$0x3FAE] =	sst s9;
	s0 =	simm.s32 @!p0 $0x0  }
0x12: {  	s1 =	sld [smem:$0x3F94];
	s0 =	simm.s32 @p0 $0x1  }
0x13: {  	[smem:$0x3FAF] =	sst s0;
	s0 =	simm.s32 @!p1 $0x0  }
0x14: {  	s2 =	sld [smem:$0x3F93];
	s0 =	simm.s32 @p1 $0x1  }
0x15: {  	[smem:$0x3FB0] =	sst s0;
	s0 =	simm.s32 @!p2 $0x0  }
0x16: {  	s3 =	sld [smem:$0x3FDB];
	s0 =	simm.s32 @p2 $0x1  }
0x17: {  	s4 =	simm.s32 $0x1BF5;
	[smem:$0x3FB2] =	sst s0  }
0x18: {  	s0 =	sld [smem:$0x3F95];
	_ =	swait.ge [sflag:s4], $0x0  }
0x19: {  	s7 =	sld [smem:$0x3F96]  }
0x1a: {  	s8 =	sadd.s32 $0xFFFFE003, lr  }
0x1b: {  	s9 =	sadd.s32 $0xFFFFFEF7, lr;
	s5 =	simm.s32 $0xFFFFFFFF;
	p2 =	slt.u32 s8, $0xFFFFF086  }
0x1c: {  	p1 =	slt.u32 s9, $0xF7A;
	s5 =	simm.s32 @!p2 $0x0  }
0x1d: {  	s5 =	simm.s32 @p1 $0x1;
	p0 =	seq.s32 s7, s2  }
0x1e: {  	s7 =	smul.u32 @!p0 $0xF7A, s2;
	p2 =	seq.s32 @!p0 s5, $0x0  }
0x1f: {  	s9 =	smul.u32 $0xF7A, s1;
	s8 =	simm.s32 @!p0 $0x1BF5;
	p2 =	por !p2, p0  }
0x20: {  	[sflag:s8] =	ssyncset.s32 @!p0 $0xFFFFF086;
	s6 =	sadd.s32 @!p0 s3, s7;
	s7 =	simm.s32 @!p0 $0x108  }
0x21: {  	s3 =	sadd.s32 s3, s9;
	s6 =	sadd.s32 @!p0 $0x88, s6;
	s7 =	simm.s32 @p2 $0x1082  }
0x22: {  	[simem:s7], [sflag:s8] =	dma.local @!p0 [hbm:s6], $0xF7A  }
0x23: {  	s9 =	sor.u32 $0xD0000000, s2;
	s6 =	simm.s32 $0x108;
	_ =	swait.ge @!p0 [sflag:s8], $0x0  }
0x24: {  	s3 =	sadd.s32 $0x88, s3;
	s6 =	simm.s32 @!p1 $0x1082;
	[sflag:s4] =	ssyncset.s32 $0xFFFFF086  }
0x25: {  	[simem:s6], [sflag:s4] =	dma.local [hbm:s3], $0xF7A  }
0x26: {  	[smem:$0x3F96] =	sst s1;
	(tag) =	ssettag s2;
	_ =	strace s9  }
0x27: {  	s1 =	sld [smem:$0x3FA6]  }
0x28: {  	s2 =	sld [smem:$0x3FA7]  }
0x29: {  	s4 =	sld [smem:$0x3FA9]  }
0x2a: {  	p0 =	seq.s32 s5, $0x0;
	s5 =	sld [smem:$0x3FAA]  }
0x2b: {  	s6 =	sld [smem:$0x3FAB]  }
0x2c: {  	s7 =	sld [smem:$0x3FAC]  }
0x2d: {  	s3 =	simm.s32 $0x108;
	s8 =	sld [smem:$0x3FAD]  }
0x2e: {  	s3 =	simm.s32 @!p0 $0x1082;
	s9 =	sld [smem:$0x3FAE]  }
0x2f: {  	lr =	sadd.s32 s0, s3;
	s0 =	sld [smem:$0x3FA5]  }
0x30: {  	s3 =	sld [smem:$0x3FA8]  }
0x31: {  	[smem:$0x3FB1] =	sst s10  }
0x32: {  	s10 =	sld [smem:$0x3FAF];
	_ =	sdelay $0x3  }
0x33: {  	p0 =	seq.s32 s10, $0x1;
	s10 =	sld [smem:$0x3FB1];
	_ =	sdelay $0x3  }
0x34: {  	[smem:$0x3FB1] =	sst s10  }
0x35: {  	s10 =	sld [smem:$0x3FB0];
	_ =	sdelay $0x3  }
0x36: {  	p1 =	seq.s32 s10, $0x1;
	s10 =	sld [smem:$0x3FB1];
	_ =	sdelay $0x3  }
0x37: {  	[smem:$0x3FB1] =	sst s10  }
0x38: {  	s10 =	sld [smem:$0x3FB2]  }
0x39: {  	_ = 	snop;
	(pc) =	sbr.ind lr, $3  }
0x3a: {  	_ = 	snop  }
0x3b: {  	_ = 	snop  }
0x3c: {  	p2 =	seq.s32 s10, $0x1;
	s10 =	sld [smem:$0x3FB1]  }
0x3d: {  	_ =	shalt  }
0x3e: {  	_ =	shalt  }
0x3f: {  	_ =	shalt  }
0x40: {  	_ =	shalt  }
0x41: {  	_ =	shalt  }
0x42: {  	_ =	shalt  }
0x43: {  	_ =	shalt  }
0x44: {  	_ =	shalt  }
0x45: {  	_ =	shalt  }
0x46: {  	_ =	shalt  }
0x47: {  	_ =	shalt  }
0x48: {  	_ =	shalt  }
0x49: {  	_ =	shalt  }
0x4a: {  	_ =	shalt  }
0x4b: {  	_ =	shalt  }
0x4c: {  	_ =	shalt  }
0x4d: {  	_ =	shalt  }
0x4e: {  	_ =	shalt  }
0x4f: {  	_ =	shalt  }
0x50: {  	_ =	shalt  }
0x51: {  	_ =	shalt  }
0x52: {  	_ =	shalt  }
0x53: {  	_ =	shalt  }
0x54: {  	_ =	shalt  }
0x55: {  	_ =	shalt  }
0x56: {  	_ =	shalt  }
0x57: {  	_ =	shalt  }
0x58: {  	_ =	shalt  }
0x59: {  	_ =	shalt  }
0x5a: {  	_ =	shalt  }
0x5b: {  	_ =	shalt  }
0x5c: {  	_ =	shalt  }
0x5d: {  	_ =	shalt  }
0x5e: {  	_ =	shalt  }
0x5f: {  	_ =	shalt  }
0x60: {  	_ =	shalt  }
0x61: {  	_ =	shalt  }
0x62: {  	_ =	shalt  }
0x63: {  	_ =	shalt  }
0x64: {  	_ =	shalt  }
0x65: {  	_ =	shalt  }
0x66: {  	_ =	shalt  }
0x67: {  	_ =	shalt  }
0x68: {  	_ =	shalt  }
0x69: {  	_ =	shalt  }
0x6a: {  	_ =	shalt  }
0x6b: {  	_ =	shalt  }
0x6c: {  	_ =	shalt  }
0x6d: {  	_ =	shalt  }
0x6e: {  	_ =	shalt  }
0x6f: {  	_ =	shalt  }
0x70: {  	_ =	shalt  }
0x71: {  	_ =	shalt  }
0x72: {  	_ =	shalt  }
0x73: {  	_ =	shalt  }
0x74: {  	_ =	shalt  }
0x75: {  	_ =	shalt  }
0x76: {  	_ =	shalt  }
0x77: {  	_ =	shalt  }
0x78: {  	_ =	shalt  }
0x79: {  	_ =	shalt  }
0x7a: {  	_ =	shalt  }
0x7b: {  	_ =	shalt  }
0x7c: {  	_ =	shalt  }
0x7d: {  	_ =	shalt  }
0x7e: {  	_ =	shalt  }
0x7f: {  	_ =	shalt  }
0x80: {  	_ =	shalt  }
0x81: {  	_ =	shalt  }
0x82: {  	_ =	shalt  }
0x83: {  	_ =	shalt  }
0x84: {  	_ =	shalt  }
0x85: {  	_ =	shalt  }
0x86: {  	_ =	shalt  }
0x87: {  	_ =	shalt  }
.Lfunc_end0:
.L_simem_size_0:
called_computation_lowered:
.L_overlay_start_0:
0x88: {  	s2 =	sld [smem:$0x3FD9]  }
0x89: {  	s3 =	sld [smem:$0x3FFE];
	_ =	sdelay $0x1  }
0x8a: {  	s1 =	srdreg.scid  }
0x8b: {  	s0 =	sand.u32 $0x1, s1  }
0x8c: {  	s17 =	sshll.u32 s0, $0xA;
	s2 =	sadd.s32 s3, s2  }
0x8d: {  	s2 =	sadd.s32 s2, s17  }
0x8e: {  	[smem:$0x3FBD] =	sst s2  }
0x8f: {  	_ = 	snop  }
0x90: {  	s2 =	sld [smem:$0x3FD0];
	(tm) =	ssettm $0x1  }
0x91: {  	s18 =	sld [smem:$0x3FFB];
	_ =	sdelay $0x3  }
0x92: {  	_ =	strace s18  }
0x93: {  	s3 =	sld [smem:$0x3FFC];
	_ =	sdelay $0x3  }
0x94: {  	_ =	strace s3  }
0x95: {  	s3 =	sld [smem:$0x3FFD];
	_ =	sdelay $0x3  }
0x96: {  	_ =	strace s3  }
0x97: {  	_ =	strace $0x8FFFFFFF  }
0x98: {  	s19 =	sld [smem:$0x3FDB];
	_ =	sdelay $0x1  }
0x99: {  	s4 =	simm.s32 $_scs_section_size  }
0x9a: {  	s5 =	simm.s32 $_size__tile_overlayer_lowered;
	s6 =	simm.s32 $_tile_overlayer_lowered  }
0x9b: {  	s22 =	simm.s32 $0x1BFF;
	s21 =	sshll.u32 s6, $0x1;
	s3 =	sadd.s32 s4, s19  }
0x9c: {  	s7 =	simm.s32 $0x0;
	s20 =	sshll.u32 s5, $0x1;
	s5 =	sadd.s32 s21, s3  }
0x9d: {  	[timem:s7], [sflag:s22] =	dma.local [hbm:s5], s20  }
0x9e: {  	_ =	swait.ge [sflag:s22], s20  }
0x9f: {  	s4 =	ssub.s32 $0x0, s20;
	[sflag:s22] =	ssyncset.done $0x0  }
0xa0: {  	[sflag:s22] =	ssyncadd.s32 s4;
	_ =	sdelay $0x1  }
0xa1: {  	s23 =	simm.s32 $0x1B8B  }
0xa2: {  	_ =	swait.ge [sflag:s23], $0x1  }
0xa3: {  	[sflag:s23] =	ssyncset.done $0x0  }
0xa4: {  	s25 =	simm.s32 $0x1B8E;
	s24 =	sld [smem:$0x3FFE];
	[sflag:s23] =	ssyncadd.s32 $0xFFFFFFFF  }
0xa5: {  	s26 =	simm.s32 $execute0_lowered;
	[smem:$0x3FD2] =	sst s25  }
0xa6: {  	s5 =	sshll.u32 s26, $0x1;
	_ =	strace $0x80000046;
	[dreg:$0x1] =	wrdreg $0xFFFFFFFF  }
0xa7: {  	s28 =	simm.s32 $_size_execute0_lowered;
	s3 =	sadd.s32 s3, s5;
	[dreg:$0x0] =	wrdreg $0x0  }
0xa8: {  	s5 =	sshll.u32 s28, $0x1;
	[dreg:$0x2] =	wrdreg s3  }
0xa9: {  	[dreg:$0x3] =	wrdreg s5  }
0xaa: {  	[dreg:$0x4] =	wrdreg $0xC0  }
0xab: {  	_ =	task [dreg:s7], $0x5FFFF  }
0xac: {  	[dreg:$0x1] =	wrdreg $0xFFFFFFFF  }
0xad: {  	[dreg:$0x0] =	wrdreg $0x60  }
0xae: {  	[dreg:$0x2] =	wrdreg s2  }
0xaf: {  	[dreg:$0x3] =	wrdreg s24  }
0xb0: {  	[dreg:$0x4] =	wrdreg $0x9  }
0xb1: {  	_ =	task.clear_ibuf [dreg:s7], $0x5FFFF;
	_ =	strace $0x90000046  }
0xb2: {  	s29 =	simm.s32 $0x9;
	_ =	strace $0x80000048  }
0xb3: {  	_ =	swait.ge [sflag:s29], $0x1  }
0xb4: {  	[sflag:s29] =	ssyncadd.s32 $0xFFFFFFFF  }
0xb5: {  	_ =	strace $0x90000048  }
0xb6: {  	_ =	sfence  }
0xb7: {  	s30 =	sld [smem:$0x0];
	_ =	sdelay $0x2  }
0xb8: {  	s31 =	sshll.u32 s1, $0xD;
	s1 =	sshrl.u32 s1, $0x2  }
0xb9: {  	s3 =	sand.u32 $0x4000, s31;
	s1 =	sadd.s32 s1, s30  }
0xba: {  	s0 =	sor.u32 s3, s0;
	s1 =	sshll.u32 s1, $0x11  }
0xbb: {  	s0 =	sor.u32 s1, s0  }
0xbc: {  	s0 =	sadd.s32 $0x8F2B, s0  }
0xbd: {  	[sflag:s0] =	ssyncadd.remote.s32 $0x1  }
0xbe: {  	_ =	sfence.sel $0xFFFF  }
0xbf: {  	[dreg:$0x0] =	wrdreg $0xFFFFFFFF;
	(pc) =	sbr.abs _section_cstart, $3  }
0xc0: {  	[dreg:$0x1] =	wrdreg $0xFFFFFFFF  }
0xc1: {  	_ =	task.clear_ibuf [dreg:s7], $0x2FFFF;
	_ =	strace $0x9FFFFFFF  }
0xc2: {  	(tm) =	ssettm $0x7FFFFFFF  }
0xc3: {  	_ =	shalt  }
tec
execute0_lowered:
.L_overlay_start_1:
0x0: {  	(tag) =	ssettag $0x1  }
0x1: {  	s2 =	rddreg [dreg:$0x0]  }
0x2: {  	s0 =	srdreg.scid;
	s5 =	rddreg [dreg:$0x1]  }
0x3: {  	s1 =	stileid.u32;
	s3 =	simm.s32 $0x0;
	s11 =	simm.s32 $0x2780  }
0x4: {  	s12 =	simm.s32 $0x80;
	s13 =	simm.s32 $0x4F00;
	s14 =	simm.s32 $0x5000  }
0x5: {  	s15 =	simm.s32 $0x4F80;
	s16 =	simm.s32 $0xD000;
	s17 =	simm.s32 $0x1  }
0x6: {  	s18 =	simm.s32 $0x2;
	s19 =	simm.s32 $0x3;
	s4 =	sand.u32 $0x1, s0  }
0x7: {  	s20 =	simm.s32 $0x0;
	s0 =	rddreg [dreg:$0x2];
	s6 =	sshll.u32 s4, $0x4  }
0x8: {  	[smem:$0x7FF] =	sst s3;
	s7 =	ssub.s32 $0x2, s4;
	s8 =	sor.u32 s1, s6  }
0x9: {  	_ =	strace $0x80000047;
	s9 =	sshrl.u32 s7, $0x1;
	s6 =	smul.u32 $0x4F0, s8  }
0xa: {  	s4 =	sadd.s32 $0x15C00, s5;
	s9 =	ssub.s32 s7, s9;
	s8 =	smul.u32 $0x13C000, s8  }
0xb: {  	s9 =	smax.u32 s9, $0x1;
	s10 =	sadd.s32 s6, s5;
	s5 =	sadd.s32 $0x3CE00, s5  }
0xc: {  	s6 =	sadd.s32 $0xBE00, s10;
	s7 =	sadd.s32 $0x2000, s10;
	s10 =	simm.s32 $0x4  }
.LBB2_1:
0xd: {  	[tilespmem:s3], [sflag:$0x4] =	stream.linear.gather [hbm4b:s6+s3], $0x2780, $0x38;
	[tilespmem:$0x15000] =	vst v63  }
0xe: {  	_ =	swait.ge [sflag:s10], $0x2780  }
0xf: {  	[sflag:s10] =	ssyncset.done $0x0  }
0x10: {  	[sflag:s10] =	ssyncadd.s32 $0xFFFFD880  }
0x11: {  	[tilespmem:s11], [sflag:$0x4] =	stream.linear.gather [hbm4b:s7+s3], $0x2780, $0x38;
	[tilespmem:$0x15000] =	vst v63  }
0x12: {  	_ =	swait.ge [sflag:s10], $0x2780  }
0x13: {  	[sflag:s10] =	ssyncset.done $0x0  }
0x14: {  	[sflag:s10] =	ssyncadd.s32 $0xFFFFD880  }
0x15: {  	v0 =	vld [tilespmem:$0x0]  }
0x16: {  	v1 =	vld [tilespmem:$0x2780]  }
0x17: {  	v2 =	vld [tilespmem:$0x10]  }
0x18: {  	v3 =	vld [tilespmem:$0x2790]  }
0x19: {  	v4 =	vld [tilespmem:$0x20]  }
0x1a: {  	v53 =	vld [tilespmem:$0x27A0];
	[tilespmem:$0x4F00] =	vst v0  }
0x1b: {  	v54 =	vld [tilespmem:$0x30];
	[tilespmem:$0x4F80] =	vst v1  }
0x1c: {  	v55 =	vld [tilespmem:$0x27B0];
	[tilespmem:$0x4F10] =	vst v2  }
0x1d: {  	v56 =	vld [tilespmem:$0x40];
	[tilespmem:$0x4F90] =	vst v3  }
0x1e: {  	v57 =	vld [tilespmem:$0x27C0];
	[tilespmem:$0x4F20] =	vst v4  }
0x1f: {  	v58 =	vld [tilespmem:$0x50];
	[tilespmem:$0x4FA0] =	vst v53  }
0x20: {  	v59 =	vld [tilespmem:$0x27D0];
	[tilespmem:$0x4F30] =	vst v54  }
0x21: {  	v60 =	vld [tilespmem:$0x60];
	[tilespmem:$0x4FB0] =	vst v55  }
0x22: {  	v61 =	vld [tilespmem:$0x27E0];
	[tilespmem:$0x4F40] =	vst v56  }
0x23: {  	v62 =	vld [tilespmem:$0x70];
	[tilespmem:$0x4FC0] =	vst v57  }
0x24: {  	v63 =	vld [tilespmem:$0x27F0];
	[tilespmem:$0x4F50] =	vst v58  }
0x25: {  	[tilespmem:$0x4FD0] =	vst v59  }
0x26: {  	[tilespmem:$0x4F60] =	vst v60  }
0x27: {  	[tilespmem:$0x4FE0] =	vst v61  }
0x28: {  	[tilespmem:$0x4F70] =	vst v62  }
0x29: {  	[tilespmem:$0x4FF0] =	vst v63  }
0x2a: {  	[tilespmem:s14], [sflag:$0x1] =	stream.indirect.gather [hbm4b:s2+s12], $0x80, s13, s12, $0xb8;
	[tilespmem:$0x15000] =	vst v63  }
0x2b: {  	s21 =	simm.s32 $0x0  }
0x2c: {  	[tilespmem:s16], [sflag:$0x2] =	stream.indirect.gather [hbm4b:s4+s12], $0x80, s15, s12, $0xb8;
	[tilespmem:$0x15000] =	vst v63  }
.LBB2_2:
0x2d: {  	_ =	swait.ge [sflag:s17], $0x4000  }
0x2e: {  	p0 =	seq.s32 s21, $0x0;
	[sflag:s17] =	ssyncset.done $0x0  }
0x2f: {  	p1 =	seq.s32 @!p0 s21, $0x4E;
	[sflag:s17] =	ssyncadd.s32 $0xFFFFC000  }
0x30: {  	p1 =	por p0, !p1;
	_ =	swait.ge [sflag:s18], $0x4000  }
.Ltmp0:
0x31: {  	[sflag:s18] =	ssyncset.done $0x0;
	(pc) =	sbr.rel @!p1 .LBB2_4-.Ltmp0, $4  }
0x32: {  	s22 =	simm.s32 @!p0 $0x3;
	[sflag:s18] =	ssyncadd.s32 $0xFFFFC000  }
0x33: {  	_ =	swait.ge @!p0 [sflag:s22], $0x4000  }
0x34: {  	s23 =	sand.u32 $0x1, s21;
	[sflag:s22] =	ssyncset.done @!p0 $0x0  }
0x35: {  	s23 =	sshll.u32 s23, $0xE;
	[sflag:s22] =	ssyncadd.s32 @!p0 $0xFFFFC000;
	s22 =	simm.s32 @!p0 $0x4F  }
0x36: {  	s22 =	sadd.s32 @!p0 $0x1, s21  }
0x37: {  	s22 =	simm.s32 @p0 $0x1  }
0x38: {  	s24 =	sshll.u32 s22, $0x7  }
0x39: {  	v0 =	vld [tilespmem:s24+$0x0];
	_ =	sdelay $0x4  }
0x3a: {  	[tilespmem:$0x4F00] =	vst v0  }
0x3b: {  	v0 =	vld [tilespmem:s24+$0x2780];
	_ =	sdelay $0x4  }
0x3c: {  	[tilespmem:$0x4F80] =	vst v0  }
0x3d: {  	v0 =	vld [tilespmem:s24+$0x10];
	_ =	sdelay $0x4  }
0x3e: {  	[tilespmem:$0x4F10] =	vst v0  }
0x3f: {  	v0 =	vld [tilespmem:s24+$0x2790];
	_ =	sdelay $0x4  }
0x40: {  	[tilespmem:$0x4F90] =	vst v0  }
0x41: {  	v0 =	vld [tilespmem:s24+$0x20];
	_ =	sdelay $0x4  }
0x42: {  	[tilespmem:$0x4F20] =	vst v0  }
0x43: {  	v0 =	vld [tilespmem:s24+$0x27A0];
	_ =	sdelay $0x4  }
0x44: {  	[tilespmem:$0x4FA0] =	vst v0  }
0x45: {  	v0 =	vld [tilespmem:s24+$0x30];
	_ =	sdelay $0x4  }
0x46: {  	[tilespmem:$0x4F30] =	vst v0  }
0x47: {  	v0 =	vld [tilespmem:s24+$0x27B0];
	_ =	sdelay $0x4  }
0x48: {  	[tilespmem:$0x4FB0] =	vst v0  }
0x49: {  	v0 =	vld [tilespmem:s24+$0x40];
	_ =	sdelay $0x4  }
0x4a: {  	[tilespmem:$0x4F40] =	vst v0  }
0x4b: {  	v0 =	vld [tilespmem:s24+$0x27C0];
	_ =	sdelay $0x4  }
0x4c: {  	[tilespmem:$0x4FC0] =	vst v0  }
0x4d: {  	v0 =	vld [tilespmem:s24+$0x50];
	_ =	sdelay $0x4  }
0x4e: {  	[tilespmem:$0x4F50] =	vst v0  }
0x4f: {  	v0 =	vld [tilespmem:s24+$0x27D0];
	_ =	sdelay $0x4  }
0x50: {  	[tilespmem:$0x4FD0] =	vst v0  }
0x51: {  	v0 =	vld [tilespmem:s24+$0x60];
	_ =	sdelay $0x4  }
0x52: {  	[tilespmem:$0x4F60] =	vst v0  }
0x53: {  	v0 =	vld [tilespmem:s24+$0x27E0];
	_ =	sdelay $0x4  }
0x54: {  	[tilespmem:$0x4FE0] =	vst v0  }
0x55: {  	v0 =	vld [tilespmem:s24+$0x70];
	_ =	sdelay $0x4  }
0x56: {  	[tilespmem:$0x4F70] =	vst v0  }
0x57: {  	v0 =	vld [tilespmem:s24+$0x27F0];
	_ =	sdelay $0x4  }
0x58: {  	s30 =	ssub.s32 $0x9000, s23;
	[tilespmem:$0x4FF0] =	vst v0  }
0x59: {  	[tilespmem:s30], [sflag:$0x1] =	stream.indirect.gather [hbm4b:s2+s12], $0x80, s13, s12, $0xb8;
	[tilespmem:$0x15000] =	vst v63  }
0x5a: {  	s31 =	ssub.s32 $0x11000, s23  }
0x5b: {  	[tilespmem:s31], [sflag:$0x2] =	stream.indirect.gather [hbm4b:s4+s12], $0x80, s15, s12, $0xb8;
	[tilespmem:$0x15000] =	vst v63  }
.LBB2_4:
0x5c: {  	s24 =	simm.s32 $0x0  }
0x5d: {  	s24 =	sor.u32 s24, s23  }
0x5e: {  	v0 =	vld [tilespmem:s24+$0xD0F0]  }
0x5f: {  	v1 =	vld [tilespmem:s24+$0xD000]  }
0x60: {  	v2 =	vld [tilespmem:s24+$0xD010]  }
0x61: {  	v3 =	vld [tilespmem:s24+$0xD020]  }
0x62: {  	v4 =	vld [tilespmem:s24+$0xD030]  }
0x63: {  	v5 =	vld [tilespmem:s24+$0xD040]  }
0x64: {  	v6 =	vld [tilespmem:s24+$0xD050]  }
0x65: {  	v7 =	vld [tilespmem:s24+$0xD060]  }
0x66: {  	v8 =	vld [tilespmem:s24+$0xD070]  }
0x67: {  	v9 =	vld [tilespmem:s24+$0xD080]  }
0x68: {  	v10 =	vld [tilespmem:s24+$0xD090]  }
0x69: {  	v11 =	vld [tilespmem:s24+$0xD0A0]  }
0x6a: {  	v12 =	vld [tilespmem:s24+$0xD0B0]  }
0x6b: {  	v13 =	vld [tilespmem:s24+$0xD0C0]  }
0x6c: {  	v14 =	vld [tilespmem:s24+$0xD0D0]  }
0x6d: {  	[tilespmem:s24+$0x50F0] =	vst.add.f32.msk $0xffff, v0  }
0x6e: {  	v0 =	vld [tilespmem:s24+$0xD0E0]  }
0x6f: {  	[tilespmem:s24+$0x5000] =	vst.add.f32.msk $0xffff, v1  }
0x70: {  	[tilespmem:s24+$0x5010] =	vst.add.f32.msk $0xffff, v2  }
0x71: {  	[tilespmem:s24+$0x5020] =	vst.add.f32.msk $0xffff, v3  }
0x72: {  	[tilespmem:s24+$0x5030] =	vst.add.f32.msk $0xffff, v4  }
0x73: {  	[tilespmem:s24+$0x5040] =	vst.add.f32.msk $0xffff, v5  }
0x74: {  	[tilespmem:s24+$0x5050] =	vst.add.f32.msk $0xffff, v6  }
0x75: {  	[tilespmem:s24+$0x5060] =	vst.add.f32.msk $0xffff, v7  }
0x76: {  	[tilespmem:s24+$0x5070] =	vst.add.f32.msk $0xffff, v8  }
0x77: {  	[tilespmem:s24+$0x5080] =	vst.add.f32.msk $0xffff, v9  }
0x78: {  	[tilespmem:s24+$0x5090] =	vst.add.f32.msk $0xffff, v10  }
0x79: {  	[tilespmem:s24+$0x50A0] =	vst.add.f32.msk $0xffff, v11  }
0x7a: {  	[tilespmem:s24+$0x50B0] =	vst.add.f32.msk $0xffff, v12  }
0x7b: {  	[tilespmem:s24+$0x50C0] =	vst.add.f32.msk $0xffff, v13  }
0x7c: {  	s25 =	sadd.s32 $0x5000, s23;
	s26 =	simm.s32 $0x0;
	s28 =	simm.s32 $0x100;
	[tilespmem:s24+$0x50D0] =	vst.add.f32.msk $0xffff, v14  }
.LBB2_5:
0x7d: {  	s26 =	sadd.s32 $0x2, s26;
	[tilespmem:s24+$0x50E0] =	vst.add.f32.msk $0xffff, v0;
	s24 =	sor.u32 s28, s23  }
0x7e: {  	v0 =	vld [tilespmem:s24+$0xD0F0];
	p0 =	slt.u32 s26, $0x7E  }
0x7f: {  	v1 =	vld [tilespmem:s24+$0xD000]  }
0x80: {  	v2 =	vld [tilespmem:s24+$0xD010]  }
0x81: {  	v3 =	vld [tilespmem:s24+$0xD020]  }
0x82: {  	v4 =	vld [tilespmem:s24+$0xD030]  }
0x83: {  	[tilespmem:s24+$0x50F0] =	vst.add.f32.msk $0xffff, v0  }
0x84: {  	v5 =	vld [tilespmem:s24+$0xD040]  }
0x85: {  	v6 =	vld [tilespmem:s24+$0xD050]  }
0x86: {  	v7 =	vld [tilespmem:s24+$0xD060]  }
0x87: {  	v8 =	vld [tilespmem:s24+$0xD070]  }
0x88: {  	v9 =	vld [tilespmem:s24+$0xD080]  }
0x89: {  	v10 =	vld [tilespmem:s24+$0xD090]  }
0x8a: {  	v11 =	vld [tilespmem:s24+$0xD0A0]  }
0x8b: {  	v12 =	vld [tilespmem:s24+$0xD0B0]  }
0x8c: {  	v13 =	vld [tilespmem:s24+$0xD0C0]  }
0x8d: {  	v14 =	vld [tilespmem:s24+$0xD0D0]  }
0x8e: {  	v0 =	vld [tilespmem:s24+$0xD0E0]  }
0x8f: {  	[tilespmem:s24+$0x5000] =	vst.add.f32.msk $0xffff, v1  }
0x90: {  	[tilespmem:s24+$0x5010] =	vst.add.f32.msk $0xffff, v2  }
0x91: {  	[tilespmem:s24+$0x5020] =	vst.add.f32.msk $0xffff, v3  }
0x92: {  	[tilespmem:s24+$0x5030] =	vst.add.f32.msk $0xffff, v4  }
0x93: {  	[tilespmem:s24+$0x5040] =	vst.add.f32.msk $0xffff, v5  }
0x94: {  	[tilespmem:s24+$0x5050] =	vst.add.f32.msk $0xffff, v6  }
0x95: {  	[tilespmem:s24+$0x5060] =	vst.add.f32.msk $0xffff, v7  }
0x96: {  	[tilespmem:s24+$0x5070] =	vst.add.f32.msk $0xffff, v8  }
0x97: {  	[tilespmem:s24+$0x5080] =	vst.add.f32.msk $0xffff, v9  }
.Ltmp1:
0x98: {  	[tilespmem:s24+$0x5090] =	vst.add.f32.msk $0xffff, v10;
	(pc) =	sbr.rel @p0 .LBB2_5-.Ltmp1, $4  }
0x99: {  	[tilespmem:s24+$0x50A0] =	vst.add.f32.msk $0xffff, v11  }
0x9a: {  	[tilespmem:s24+$0x50B0] =	vst.add.f32.msk $0xffff, v12  }
0x9b: {  	[tilespmem:s24+$0x50C0] =	vst.add.f32.msk $0xffff, v13  }
0x9c: {  	s28 =	sadd.s32 $0x100, s28;
	[tilespmem:s24+$0x50D0] =	vst.add.f32.msk $0xffff, v14  }
0x9d: {  	s21 =	sshll.u32 s21, $0xE;
	p0 =	slt.u32 s22, $0x4F  }
.Ltmp2:
0x9e: {  	s21 =	sadd.s32 s8, s21;
	(pc) =	sbr.rel @p0 .LBB2_2-.Ltmp2, $4  }
0x9f: {  	s21 =	sshrl.u32 s21, $0x3  }
0xa0: {  	[tilespmem:s24+$0x50E0] =	vst.add.f32.msk $0xffff, v0;
	s21 =	sadd.s32 s5, s21  }
0xa1: {  	[hbm4b:s21+s3] =	stream.linear.scatter [tilespmem:s25], [sflag:$0x3], $0x4000, $0x38;
	[tilespmem:$0x15000] =	vst v63  }
0xa2: {  	s21 =	smov.u32 s22  }
0xa3: {  	s20 =	sadd.s32 $0x1, s20  }
0xa4: {  	p0 =	sne.s32 s20, s9  }
.Ltmp3:
0xa5: {  	_ = 	snop;
	(pc) =	sbr.rel @p0 .LBB2_1-.Ltmp3, $4  }
0xa6: {  	_ = 	snop  }
0xa7: {  	_ =	swait.ge [sflag:s19], $0x4000  }
0xa8: {  	[sflag:s19] =	ssyncset.done $0x0  }
0xa9: {  	[sflag:s19] =	ssyncadd.s32 $0xFFFFC000  }
0xaa: {  	_ =	sfence.sel $0x180000  }
0xab: {  	[bflag:$0x0] =	sbarrier.arrive $0xFFFF  }
0xac: {  	p0 =	sne.s32 s1, $0x0;
	_ =	strace $0x90000047  }
0xad: {  	s0 =	sadd.s32 @!p0 $0x100000, s0;
	[bflag:$0x2] =	sbarrier.arrive $0xFFFF  }
0xae: {  	[sflag:s0] =	ssyncadd.tile.s32 @!p0 $0x1;
	_ =	shalt  }
.Lfunc_end2:
_tile_overlayer_lowered:
.L_overlay_start_2:
0xaf: {  	(tag) =	ssettag $0x2  }
0xb0: {  	s0 =	rddreg [dreg:$0x0];
	s2 =	stileid.u32  }
0xb1: {  	s1 =	rddreg [dreg:$0x1];
	p0 =	sne.s32 s2, $0x0  }
0xb2: {  	s3 =	rddreg [dreg:$0x2];
	[bflag:$0x3] =	sbarrier.arrive $0xFFFF;
	s2 =	simm.s32 @!p0 $0x1C04  }
0xb3: {  	[timem:s3], [sflag:s2] =	dma.local @!p0 [hbm:s0], s1  }
0xb4: {  	s0 =	simm.s32 @!p0 $0x4  }
0xb5: {  	_ =	swait.ge @!p0 [sflag:s0], s1  }
0xb6: {  	s1 =	ssub.s32 @!p0 $0x0, s1;
	[sflag:s0] =	ssyncset.done @!p0 $0x0  }
0xb7: {  	[sflag:s0] =	ssyncadd.s32 @!p0 s1  }
0xb8: {  	[bflag:$0x3] =	sbarrier.arrive $0xFFFF  }
0xb9: {  	_ =	shalt  }

</sc_bundles>
